<compile_context>
chip_gen: v7x
topology: tpu7x:2x2x1
jax: 0.10.2.dev20260603
libtpu: 0.0.44.dev20260713+nightly
codegen_flags: <defaults>
</compile_context>

<pallas_src>
import functools

import jax
import jax.numpy as jnp
from jax import lax
from jax.experimental import pallas as pl
from jax.experimental.pallas import tpu as pltpu
from jax.experimental.pallas import tpu_sc as plsc

N_ROWS = 250
N_COLS = 400
N_NODES = N_ROWS * N_COLS
NE = 2 * N_NODES
ROW = 2 * N_COLS

NW = 32
CHUNK = 6256
LAST = NE - 31 * CHUNK
XWIN = CHUNK + 2 * ROW
XPAD = ROW
XBUF = XPAD + XWIN + ROW
VBUF = CHUNK + 192
EBUF = ROW + CHUNK

_MAGIC = 0x5F3759DF


def _fast_rsqrt(x):
    ix = lax.bitcast_convert_type(x, jnp.int32)
    iy = jnp.full((16,), _MAGIC, jnp.int32) - lax.shift_right_arithmetic(ix, 1)
    r = lax.bitcast_convert_type(iy, jnp.float32)
    return r * (1.5 - 0.5 * x * r * r)


_SWAP_DNUMS = lax.GatherDimensionNumbers(
    offset_dims=(), collapsed_slice_dims=(0,), start_index_map=(0,))


def _lane_swap(vec, swap_idx):
    return lax.gather(vec, swap_idx[:, None], _SWAP_DNUMS, (1,),
                      mode=lax.GatherScatterMode.PROMISE_IN_BOUNDS)


@functools.partial(
    pl.kernel,
    out_type=jax.ShapeDtypeStruct((2 * NE,), jnp.float32),
    mesh=plsc.VectorSubcoreMesh(core_axis_name="c", subcore_axis_name="s"),
    scratch_types=[
        pltpu.VMEM((XBUF,), jnp.float32),
        pltpu.VMEM((VBUF,), jnp.float32),
        pltpu.VMEM((CHUNK,), jnp.float32),
        pltpu.VMEM((CHUNK,), jnp.float32),
        pltpu.VMEM((EBUF,), jnp.float32),
        pltpu.VMEM((EBUF,), jnp.float32),
        pltpu.VMEM((64,), jnp.float32),
        pltpu.SemaphoreType.DMA,
        pltpu.SemaphoreType.DMA,
    ],
)
def _spring_sc(y_hbm, k_hbm, rest_hbm, c_hbm, mass_hbm, out_hbm,
               xbuf, vbuf, vout, aout, hbuf, dbuf, cbuf, vsem, csem):
    wid = lax.axis_index("s") * 2 + lax.axis_index("c")
    g0 = CHUNK * wid

    hs = pl.multiple_of(jnp.clip(g0 - ROW, 0, NE - XWIN), 8)
    base = XPAD + (g0 - hs)
    vstart = pl.multiple_of(jnp.minimum(NE + g0, 2 * NE - CHUNK), 8)
    vbase = (NE + g0) - vstart
    vcp = pltpu.async_copy(y_hbm.at[pl.ds(vstart, CHUNK)],
                           vbuf.at[pl.ds(0, CHUNK)], vsem)
    c0 = pltpu.async_copy(k_hbm.at[pl.ds(0, 16)], cbuf.at[pl.ds(0, 16)], csem)
    c1 = pltpu.async_copy(rest_hbm.at[pl.ds(0, 16)], cbuf.at[pl.ds(16, 16)],
                          csem)
    c2 = pltpu.async_copy(c_hbm, cbuf.at[pl.ds(32, 16)], csem)
    c3 = pltpu.async_copy(mass_hbm, cbuf.at[pl.ds(48, 16)], csem)
    pltpu.sync_copy(y_hbm.at[pl.ds(hs, XWIN)], xbuf.at[pl.ds(XPAD, XWIN)])
    c0.wait()
    c1.wait()
    c2.wait()
    c3.wait()

    A = cbuf[pl.ds(0, 16)]
    B = A * cbuf[pl.ds(16, 16)]
    C = cbuf[pl.ds(32, 16)]
    M = cbuf[pl.ds(48, 16)]
    im = lax.bitcast_convert_type(M, jnp.int32)
    im = jnp.full((16,), _MAGIC, jnp.int32) - lax.shift_right_arithmetic(im, 1)
    rm = lax.bitcast_convert_type(im, jnp.float32)
    for _ in range(3):
        rm = rm * (1.5 - 0.5 * M * rm * rm)
    iM = rm * rm

    iota = lax.iota(jnp.int32, 16)
    swap_idx = lax.bitwise_xor(iota, jnp.full((16,), 1, jnp.int32))

    def run_passes(cnt):
        @plsc.parallel_loop(0, cnt + ROW, step=16, unroll=4)
        def _(o):
            ob = (base - ROW) + o
            xc = xbuf[pl.ds(ob, 16)]
            xr = xbuf[pl.ds(ob + 2, 16)]
            xd = xbuf[pl.ds(ob + ROW, 16)]

            def edge(xn):
                dv = xn - xc
                sq = dv * dv
                len2 = sq + _lane_swap(sq, swap_idx)
                return (A - B * _fast_rsqrt(len2)) * dv

            h = edge(xr)
            d = edge(xd)
            hbuf[pl.ds(o, 16)] = h
            dbuf[pl.ds(o, 16)] = d

        vcp.wait()

        @plsc.parallel_loop(0, cnt, step=16, unroll=4)
        def _(off):
            h0 = hbuf[pl.ds(off + ROW, 16)]
            h1 = hbuf[pl.ds(off + ROW - 2, 16)]
            d0 = dbuf[pl.ds(off + ROW, 16)]
            d1 = dbuf[pl.ds(off, 16)]
            vc = vbuf[pl.ds(vbase + off, 16)]
            F = (h0 - h1) + (d0 - d1)

            p = g0 + off + iota
            n = lax.shift_right_logical(p, 1)
            fn = n.astype(jnp.float32)
            i = ((fn + 0.5) * (1.0 / N_COLS)).astype(jnp.int32)
            j = n - i * N_COLS
            one = jnp.full((16,), 1, jnp.int32)
            free = (jnp.minimum(i, one) * jnp.minimum((N_ROWS - 1) - i, one)
                    * jnp.minimum(j, one) * jnp.minimum((N_COLS - 1) - j, one)
                    ).astype(jnp.float32)

            acc = (F - C * vc) * iM
            vout[pl.ds(off, 16)] = free * vc
            aout[pl.ds(off, 16)] = free * acc

    @pl.when(wid < NW - 1)
    def _():
        run_passes(CHUNK)

    @pl.when(wid >= NW - 1)
    def _():
        run_passes(LAST)

    o0 = pl.multiple_of(g0, 8)
    o1 = pl.multiple_of(NE + g0, 8)

    @pl.when(wid < NW - 1)
    def _():
        pltpu.sync_copy(vout.at[pl.ds(0, CHUNK)], out_hbm.at[pl.ds(o0, CHUNK)])
        pltpu.sync_copy(aout.at[pl.ds(0, CHUNK)], out_hbm.at[pl.ds(o1, CHUNK)])

    @pl.when(wid >= NW - 1)
    def _():
        pltpu.sync_copy(vout.at[pl.ds(0, LAST)], out_hbm.at[pl.ds(o0, LAST)])
        pltpu.sync_copy(aout.at[pl.ds(0, LAST)], out_hbm.at[pl.ds(o1, LAST)])


def kernel(t, y, mass, k, c, edges, rest_lengths, fixed_nodes):
    c16 = jnp.broadcast_to(c[0, 0], (16,))
    m16 = jnp.broadcast_to(mass[0, 0], (16,))
    return _spring_sc(y, k, rest_lengths, c16, m16)

# --- scband reference (transcript-rebuilt; emitter-appended) ---
"""Pipeline reference for scband-spring-lattice-ode-31421980738089 (READ-ONLY COPY).

The authoritative reference and input builder live on the scoring server;
editing this copy changes nothing except your own understanding.
"""

import jax, jax.numpy as jnp
import numpy as np

N_ROWS = 250
N_COLS = 400
N_NODES = N_ROWS * N_COLS
DIM = 2


def _build_lattice():
    ii, jj = np.meshgrid(np.arange(N_ROWS), np.arange(N_COLS), indexing='ij')
    nid = (ii * N_COLS + jj).astype(np.int64)
    # horizontal edges (i, j) -> (i, j+1)
    h_src = nid[:, :-1].reshape(-1)
    h_dst = nid[:, 1:].reshape(-1)
    # vertical edges (i, j) -> (i+1, j)
    v_src = nid[:-1, :].reshape(-1)
    v_dst = nid[1:, :].reshape(-1)
    edges = np.stack([np.concatenate([h_src, v_src]), np.concatenate([h_dst, v_dst])], axis=1)
    positions = np.stack([jj.reshape(-1).astype(np.float32), ii.reshape(-1).astype(np.float32)], axis=1)
    p_i = positions[edges[:, 0]]
    p_j = positions[edges[:, 1]]
    rest_lengths = np.linalg.norm(p_j - p_i, axis=1).astype(np.float32)
    boundary = (ii == 0) | (ii == N_ROWS - 1) | (jj == 0) | (jj == N_COLS - 1)
    fixed_nodes = nid[boundary].reshape(-1)
    return edges, rest_lengths, fixed_nodes


def setup_inputs(seed: int = 0) -> dict:
    key = jax.random.key(seed)
    k_y, = jax.random.split(key, 1)
    edges, rest_lengths, fixed_nodes = _build_lattice()
    n_edges = edges.shape[0]
    return {
        't': jnp.zeros((1,), dtype=jnp.float32),
        'y': jax.random.normal(k_y, (2 * N_NODES * DIM,), dtype=jnp.float32),
        'mass': 1.0 * jnp.ones((N_NODES, DIM), dtype=jnp.float32),
        'k': 10.0 * jnp.ones((n_edges,), dtype=jnp.float32),
        'c': 0.5 * jnp.ones((N_NODES, DIM), dtype=jnp.float32),
        'edges': jnp.asarray(edges, dtype=jnp.int64),
        'rest_lengths': jnp.asarray(rest_lengths, dtype=jnp.float32),
        'fixed_nodes': jnp.asarray(fixed_nodes, dtype=jnp.int64),
    }


def reference(t, y, mass, k, c, edges, rest_lengths, fixed_nodes):
    n = N_NODES * DIM
    x = y[:n].reshape(N_NODES, DIM)
    v = y[n:].reshape(N_NODES, DIM)
    i_nodes = edges[:, 0]
    j_nodes = edges[:, 1]
    x_i = jnp.take(x, i_nodes, axis=0)
    x_j = jnp.take(x, j_nodes, axis=0)
    dx = x_j - x_i
    lengths = jnp.maximum(jnp.linalg.norm(dx, axis=1), 1e-12)
    directions = dx / lengths[:, None]
    extensions = lengths - rest_lengths
    edge_forces = k[:, None] * extensions[:, None] * directions
    forces = jnp.zeros_like(x)
    forces = forces.at[i_nodes].add(edge_forces)
    forces = forces.at[j_nodes].add(-edge_forces)
    f_damping = -c * v
    acceleration = (forces + f_damping) / mass
    v = v.at[fixed_nodes, :].set(0.0)
    acceleration = acceleration.at[fixed_nodes, :].set(0.0)
    dydt = jnp.concatenate([v.reshape(-1), acceleration.reshape(-1)])
    return dydt

if __name__ == "__main__":
    import jax
    _d = setup_inputs()
    print(jax.jit(kernel)(*tuple(_d.values())))

</pallas_src>

<mosaic_0001>
#map = affine_map<(d0, d1) -> (0)>
module attributes {stable_mosaic.version = 14 : i64} {
  func.func @_spring_sc(%arg0: i32, %arg1: i32, %arg2: memref<400000xf32, #tpu.memory_space<hbm>>, %arg3: memref<199350xf32, #tpu.memory_space<hbm>>, %arg4: memref<199350xf32, #tpu.memory_space<hbm>>, %arg5: memref<16xf32, #tpu.memory_space<hbm>>, %arg6: memref<16xf32, #tpu.memory_space<hbm>>, %arg7: memref<400000xf32, #tpu.memory_space<hbm>>, %arg8: memref<9456xf32, #tpu.memory_space<vmem>>, %arg9: memref<6448xf32, #tpu.memory_space<vmem>>, %arg10: memref<6256xf32, #tpu.memory_space<vmem>>, %arg11: memref<6256xf32, #tpu.memory_space<vmem>>, %arg12: memref<7056xf32, #tpu.memory_space<vmem>>, %arg13: memref<7056xf32, #tpu.memory_space<vmem>>, %arg14: memref<64xf32, #tpu.memory_space<vmem>>, %arg15: memref<!tpu.dma_semaphore, #tpu.memory_space<semaphore_mem>>, %arg16: memref<!tpu.dma_semaphore, #tpu.memory_space<semaphore_mem>>) attributes {dimension_semantics = [#tpu.dimension_semantics<core_parallel>, #tpu.dimension_semantics<subcore_parallel>], iteration_bounds = array<i64: 2, 16>, scalar_prefetch = 0 : i64, scratch_operands = 9 : i64, tpu.core_type = #tpu.core_type<sc_vector_subcore>, window_params = [{transform_indices = #map}, {transform_indices = #map}, {transform_indices = #map}, {transform_indices = #map}, {transform_indices = #map}, {transform_indices = #map}]} {
    %mul3A = arith.constant 2 : i32
    %mul3A_0 = arith.muli %arg1, %mul3A : i32
    %add3A = arith.addi %mul3A_0, %arg0 : i32
    %mul3A_1 = arith.constant 6256 : i32
    %mul3A_2 = arith.muli %mul3A_1, %add3A : i32
    %sub3A = arith.constant 800 : i32
    %sub3A_3 = arith.subi %mul3A_2, %sub3A : i32
    %jit3A = arith.constant 0 : i32
    %jit3A_4 = arith.constant 192144 : i32
    %max3A = arith.maxsi %jit3A, %sub3A_3 : i32
    %min3A = arith.minsi %jit3A_4, %max3A : i32
    %multiple_of3A = tpu.assume_multiple %min3A, 8 : i32
    %sub3A_5 = arith.subi %mul3A_2, %multiple_of3A : i32
    %add3A_6 = arith.constant 800 : i32
    %add3A_7 = arith.addi %add3A_6, %sub3A_5 : i32
    %add3A_8 = arith.constant 200000 : i32
    %add3A_9 = arith.addi %add3A_8, %mul3A_2 : i32
    %min3A_10 = arith.constant 393744 : i32
    %min3A_11 = arith.minsi %add3A_9, %min3A_10 : i32
    %multiple_of3A_12 = tpu.assume_multiple %min3A_11, 8 : i32
    %add3A_13 = arith.constant 200000 : i32
    %add3A_14 = arith.addi %add3A_13, %mul3A_2 : i32
    %sub3A_15 = arith.subi %add3A_14, %multiple_of3A_12 : i32
    %dma_start3A = arith.constant 0 : i32
    %dma_start3A_16 = tpu.memref_slice %arg9[%dma_start3A] : memref<6448xf32, #tpu.memory_space<vmem>> -> memref<6256xf32, #tpu.memory_space<vmem>>
    %dma_start3A_17 = tpu.memref_slice %arg2[%multiple_of3A_12] : memref<400000xf32, #tpu.memory_space<hbm>> -> memref<6256xf32, #tpu.memory_space<hbm>>
    %dma_start3A_18 = arith.constant 0 : i32
    %dma_start3A_19 = tpu.memref_slice %arg9[%dma_start3A_18] : memref<6448xf32, #tpu.memory_space<vmem>> -> memref<6256xf32, #tpu.memory_space<vmem>>
    %dma_start3A_20 = tpu.memref_slice %arg2[%multiple_of3A_12] : memref<400000xf32, #tpu.memory_space<hbm>> -> memref<6256xf32, #tpu.memory_space<hbm>>
    tpu.enqueue_dma source(%dma_start3A_20 : memref<6256xf32, #tpu.memory_space<hbm>>) target(%dma_start3A_19 : memref<6256xf32, #tpu.memory_space<vmem>>) target_semaphore(%arg15 : memref<!tpu.dma_semaphore, #tpu.memory_space<semaphore_mem>>)
    %dma_start3A_21 = arith.constant 0 : i32
    %dma_start3A_22 = tpu.memref_slice %arg14[%dma_start3A_21] : memref<64xf32, #tpu.memory_space<vmem>> -> memref<16xf32, #tpu.memory_space<vmem>>
    %dma_start3A_23 = arith.constant 0 : i32
    %dma_start3A_24 = tpu.memref_slice %arg3[%dma_start3A_23] : memref<199350xf32, #tpu.memory_space<hbm>> -> memref<16xf32, #tpu.memory_space<hbm>>
    %dma_start3A_25 = arith.constant 0 : i32
    %dma_start3A_26 = tpu.memref_slice %arg14[%dma_start3A_25] : memref<64xf32, #tpu.memory_space<vmem>> -> memref<16xf32, #tpu.memory_space<vmem>>
    %dma_start3A_27 = arith.constant 0 : i32
    %dma_start3A_28 = tpu.memref_slice %arg3[%dma_start3A_27] : memref<199350xf32, #tpu.memory_space<hbm>> -> memref<16xf32, #tpu.memory_space<hbm>>
    tpu.enqueue_dma source(%dma_start3A_28 : memref<16xf32, #tpu.memory_space<hbm>>) target(%dma_start3A_26 : memref<16xf32, #tpu.memory_space<vmem>>) target_semaphore(%arg16 : memref<!tpu.dma_semaphore, #tpu.memory_space<semaphore_mem>>)
    %dma_start3A_29 = arith.constant 16 : i32
    %dma_start3A_30 = tpu.memref_slice %arg14[%dma_start3A_29] : memref<64xf32, #tpu.memory_space<vmem>> -> memref<16xf32, #tpu.memory_space<vmem>>
    %dma_start3A_31 = arith.constant 0 : i32
    %dma_start3A_32 = tpu.memref_slice %arg4[%dma_start3A_31] : memref<199350xf32, #tpu.memory_space<hbm>> -> memref<16xf32, #tpu.memory_space<hbm>>
    %dma_start3A_33 = arith.constant 16 : i32
    %dma_start3A_34 = tpu.memref_slice %arg14[%dma_start3A_33] : memref<64xf32, #tpu.memory_space<vmem>> -> memref<16xf32, #tpu.memory_space<vmem>>
    %dma_start3A_35 = arith.constant 0 : i32
    %dma_start3A_36 = tpu.memref_slice %arg4[%dma_start3A_35] : memref<199350xf32, #tpu.memory_space<hbm>> -> memref<16xf32, #tpu.memory_space<hbm>>
    tpu.enqueue_dma source(%dma_start3A_36 : memref<16xf32, #tpu.memory_space<hbm>>) target(%dma_start3A_34 : memref<16xf32, #tpu.memory_space<vmem>>) target_semaphore(%arg16 : memref<!tpu.dma_semaphore, #tpu.memory_space<semaphore_mem>>)
    %dma_start3A_37 = arith.constant 32 : i32
    %dma_start3A_38 = tpu.memref_slice %arg14[%dma_start3A_37] : memref<64xf32, #tpu.memory_space<vmem>> -> memref<16xf32, #tpu.memory_space<vmem>>
    %dma_start3A_39 = arith.constant 32 : i32
    %dma_start3A_40 = tpu.memref_slice %arg14[%dma_start3A_39] : memref<64xf32, #tpu.memory_space<vmem>> -> memref<16xf32, #tpu.memory_space<vmem>>
    tpu.enqueue_dma source(%arg5 : memref<16xf32, #tpu.memory_space<hbm>>) target(%dma_start3A_40 : memref<16xf32, #tpu.memory_space<vmem>>) target_semaphore(%arg16 : memref<!tpu.dma_semaphore, #tpu.memory_space<semaphore_mem>>)
    %dma_start3A_41 = arith.constant 48 : i32
    %dma_start3A_42 = tpu.memref_slice %arg14[%dma_start3A_41] : memref<64xf32, #tpu.memory_space<vmem>> -> memref<16xf32, #tpu.memory_space<vmem>>
    %dma_start3A_43 = arith.constant 48 : i32
    %dma_start3A_44 = tpu.memref_slice %arg14[%dma_start3A_43] : memref<64xf32, #tpu.memory_space<vmem>> -> memref<16xf32, #tpu.memory_space<vmem>>
    tpu.enqueue_dma source(%arg6 : memref<16xf32, #tpu.memory_space<hbm>>) target(%dma_start3A_44 : memref<16xf32, #tpu.memory_space<vmem>>) target_semaphore(%arg16 : memref<!tpu.dma_semaphore, #tpu.memory_space<semaphore_mem>>)
    "tpu.region"() ({
      %run_scoped3A = tpu.sem_alloc : memref<!tpu.dma_semaphore, #tpu.memory_space<semaphore_mem>>
      %dma_start3A_135 = arith.constant 800 : i32
      %dma_start3A_136 = tpu.memref_slice %arg8[%dma_start3A_135] : memref<9456xf32, #tpu.memory_space<vmem>> -> memref<7856xf32, #tpu.memory_space<vmem>>
      %dma_start3A_137 = tpu.memref_slice %arg2[%multiple_of3A] : memref<400000xf32, #tpu.memory_space<hbm>> -> memref<7856xf32, #tpu.memory_space<hbm>>
      %dma_start3A_138 = arith.constant 800 : i32
      %dma_start3A_139 = tpu.memref_slice %arg8[%dma_start3A_138] : memref<9456xf32, #tpu.memory_space<vmem>> -> memref<7856xf32, #tpu.memory_space<vmem>>
      %dma_start3A_140 = tpu.memref_slice %arg2[%multiple_of3A] : memref<400000xf32, #tpu.memory_space<hbm>> -> memref<7856xf32, #tpu.memory_space<hbm>>
      tpu.enqueue_dma source(%dma_start3A_140 : memref<7856xf32, #tpu.memory_space<hbm>>) target(%dma_start3A_139 : memref<7856xf32, #tpu.memory_space<vmem>>) target_semaphore(%run_scoped3A : memref<!tpu.dma_semaphore, #tpu.memory_space<semaphore_mem>>)
      %dma_wait3A_141 = arith.constant 800 : i32
      %dma_wait3A_142 = tpu.memref_slice %arg8[%dma_wait3A_141] : memref<9456xf32, #tpu.memory_space<vmem>> -> memref<7856xf32, #tpu.memory_space<vmem>>
      %dma_wait3A_143 = tpu.memref_slice %arg2[%multiple_of3A] : memref<400000xf32, #tpu.memory_space<hbm>> -> memref<7856xf32, #tpu.memory_space<hbm>>
      %dma_wait3A_144 = arith.constant 800 : i32
      %dma_wait3A_145 = tpu.memref_slice %arg8[%dma_wait3A_144] : memref<9456xf32, #tpu.memory_space<vmem>> -> memref<7856xf32, #tpu.memory_space<vmem>>
      %dma_wait3A_146 = tpu.memref_slice %arg2[%multiple_of3A] : memref<400000xf32, #tpu.memory_space<hbm>> -> memref<7856xf32, #tpu.memory_space<hbm>>
      tpu.wait_dma2 semaphore(%run_scoped3A : memref<!tpu.dma_semaphore, #tpu.memory_space<semaphore_mem>>) src(%dma_wait3A_146 : memref<7856xf32, #tpu.memory_space<hbm>>) dst(%dma_wait3A_145 : memref<7856xf32, #tpu.memory_space<vmem>>)
      tpu.yield
    }) : () -> ()
    %dma_wait3A = arith.constant 0 : i32
    %dma_wait3A_45 = tpu.memref_slice %arg14[%dma_wait3A] : memref<64xf32, #tpu.memory_space<vmem>> -> memref<16xf32, #tpu.memory_space<vmem>>
    %dma_wait3A_46 = arith.constant 0 : i32
    %dma_wait3A_47 = tpu.memref_slice %arg3[%dma_wait3A_46] : memref<199350xf32, #tpu.memory_space<hbm>> -> memref<16xf32, #tpu.memory_space<hbm>>
    %dma_wait3A_48 = arith.constant 0 : i32
    %dma_wait3A_49 = tpu.memref_slice %arg14[%dma_wait3A_48] : memref<64xf32, #tpu.memory_space<vmem>> -> memref<16xf32, #tpu.memory_space<vmem>>
    %dma_wait3A_50 = arith.constant 0 : i32
    %dma_wait3A_51 = tpu.memref_slice %arg3[%dma_wait3A_50] : memref<199350xf32, #tpu.memory_space<hbm>> -> memref<16xf32, #tpu.memory_space<hbm>>
    tpu.wait_dma2 semaphore(%arg16 : memref<!tpu.dma_semaphore, #tpu.memory_space<semaphore_mem>>) src(%dma_wait3A_51 : memref<16xf32, #tpu.memory_space<hbm>>) dst(%dma_wait3A_49 : memref<16xf32, #tpu.memory_space<vmem>>)
    %dma_wait3A_52 = arith.constant 16 : i32
    %dma_wait3A_53 = tpu.memref_slice %arg14[%dma_wait3A_52] : memref<64xf32, #tpu.memory_space<vmem>> -> memref<16xf32, #tpu.memory_space<vmem>>
    %dma_wait3A_54 = arith.constant 0 : i32
    %dma_wait3A_55 = tpu.memref_slice %arg4[%dma_wait3A_54] : memref<199350xf32, #tpu.memory_space<hbm>> -> memref<16xf32, #tpu.memory_space<hbm>>
    %dma_wait3A_56 = arith.constant 16 : i32
    %dma_wait3A_57 = tpu.memref_slice %arg14[%dma_wait3A_56] : memref<64xf32, #tpu.memory_space<vmem>> -> memref<16xf32, #tpu.memory_space<vmem>>
    %dma_wait3A_58 = arith.constant 0 : i32
    %dma_wait3A_59 = tpu.memref_slice %arg4[%dma_wait3A_58] : memref<199350xf32, #tpu.memory_space<hbm>> -> memref<16xf32, #tpu.memory_space<hbm>>
    tpu.wait_dma2 semaphore(%arg16 : memref<!tpu.dma_semaphore, #tpu.memory_space<semaphore_mem>>) src(%dma_wait3A_59 : memref<16xf32, #tpu.memory_space<hbm>>) dst(%dma_wait3A_57 : memref<16xf32, #tpu.memory_space<vmem>>)
    %dma_wait3A_60 = arith.constant 32 : i32
    %dma_wait3A_61 = tpu.memref_slice %arg14[%dma_wait3A_60] : memref<64xf32, #tpu.memory_space<vmem>> -> memref<16xf32, #tpu.memory_space<vmem>>
    %dma_wait3A_62 = arith.constant 32 : i32
    %dma_wait3A_63 = tpu.memref_slice %arg14[%dma_wait3A_62] : memref<64xf32, #tpu.memory_space<vmem>> -> memref<16xf32, #tpu.memory_space<vmem>>
    tpu.wait_dma2 semaphore(%arg16 : memref<!tpu.dma_semaphore, #tpu.memory_space<semaphore_mem>>) src(%arg5 : memref<16xf32, #tpu.memory_space<hbm>>) dst(%dma_wait3A_63 : memref<16xf32, #tpu.memory_space<vmem>>)
    %dma_wait3A_64 = arith.constant 48 : i32
    %dma_wait3A_65 = tpu.memref_slice %arg14[%dma_wait3A_64] : memref<64xf32, #tpu.memory_space<vmem>> -> memref<16xf32, #tpu.memory_space<vmem>>
    %dma_wait3A_66 = arith.constant 48 : i32
    %dma_wait3A_67 = tpu.memref_slice %arg14[%dma_wait3A_66] : memref<64xf32, #tpu.memory_space<vmem>> -> memref<16xf32, #tpu.memory_space<vmem>>
    tpu.wait_dma2 semaphore(%arg16 : memref<!tpu.dma_semaphore, #tpu.memory_space<semaphore_mem>>) src(%arg6 : memref<16xf32, #tpu.memory_space<hbm>>) dst(%dma_wait3A_67 : memref<16xf32, #tpu.memory_space<vmem>>)
    %get3A = arith.constant 0 : index
    %get3A_68 = tpu.vector_load %arg14[%get3A] {strides = array<i32>} : memref<64xf32, #tpu.memory_space<vmem>>, vector<16xf32>,
    %get3A_69 = vector.shape_cast %get3A_68 : vector<16xf32> to vector<16xf32>
    %get3A_70 = arith.constant 16 : index
    %get3A_71 = tpu.vector_load %arg14[%get3A_70] {strides = array<i32>} : memref<64xf32, #tpu.memory_space<vmem>>, vector<16xf32>,
    %get3A_72 = vector.shape_cast %get3A_71 : vector<16xf32> to vector<16xf32>
    %mul3A_73 = arith.mulf %get3A_69, %get3A_72 : vector<16xf32>
    %get3A_74 = arith.constant 32 : index
    %get3A_75 = tpu.vector_load %arg14[%get3A_74] {strides = array<i32>} : memref<64xf32, #tpu.memory_space<vmem>>, vector<16xf32>,
    %get3A_76 = vector.shape_cast %get3A_75 : vector<16xf32> to vector<16xf32>
    %get3A_77 = arith.constant 48 : index
    %get3A_78 = tpu.vector_load %arg14[%get3A_77] {strides = array<i32>} : memref<64xf32, #tpu.memory_space<vmem>>, vector<16xf32>,
    %get3A_79 = vector.shape_cast %get3A_78 : vector<16xf32> to vector<16xf32>
    %bitcast_convert_type3A = tpu.bitcast %get3A_79 : vector<16xf32> -> vector<16xi32>
    %broadcast_in_dim3A = arith.constant 1597463007 : i32
    %broadcast_in_dim3A_80 = vector.broadcast %broadcast_in_dim3A : i32 to vector<16xi32>
    %shift_right_arithmetic3A = arith.constant 1 : i32
    %shift_right_arithmetic3A_81 = vector.broadcast %shift_right_arithmetic3A : i32 to vector<16xi32>
    %shift_right_arithmetic3A_82 = arith.shrsi %bitcast_convert_type3A, %shift_right_arithmetic3A_81 : vector<16xi32>
    %sub3A_83 = arith.subi %broadcast_in_dim3A_80, %shift_right_arithmetic3A_82 : vector<16xi32>
    %bitcast_convert_type3A_84 = tpu.bitcast %sub3A_83 : vector<16xi32> -> vector<16xf32>
    %mul3A_85 = arith.constant 5.000000e-01 : f32
    %mul3A_86 = vector.broadcast %mul3A_85 : f32 to vector<16xf32>
    %mul3A_87 = arith.mulf %mul3A_86, %get3A_79 : vector<16xf32>
    %mul3A_88 = arith.mulf %mul3A_87, %bitcast_convert_type3A_84 : vector<16xf32>
    %mul3A_89 = arith.mulf %mul3A_88, %bitcast_convert_type3A_84 : vector<16xf32>
    %sub3A_90 = arith.constant 1.500000e+00 : f32
    %sub3A_91 = vector.broadcast %sub3A_90 : f32 to vector<16xf32>
    %sub3A_92 = arith.subf %sub3A_91, %mul3A_89 : vector<16xf32>
    %mul3A_93 = arith.mulf %bitcast_convert_type3A_84, %sub3A_92 : vector<16xf32>
    %mul3A_94 = arith.constant 5.000000e-01 : f32
    %mul3A_95 = vector.broadcast %mul3A_94 : f32 to vector<16xf32>
    %mul3A_96 = arith.mulf %mul3A_95, %get3A_79 : vector<16xf32>
    %mul3A_97 = arith.mulf %mul3A_96, %mul3A_93 : vector<16xf32>
    %mul3A_98 = arith.mulf %mul3A_97, %mul3A_93 : vector<16xf32>
    %sub3A_99 = arith.constant 1.500000e+00 : f32
    %sub3A_100 = vector.broadcast %sub3A_99 : f32 to vector<16xf32>
    %sub3A_101 = arith.subf %sub3A_100, %mul3A_98 : vector<16xf32>
    %mul3A_102 = arith.mulf %mul3A_93, %sub3A_101 : vector<16xf32>
    %mul3A_103 = arith.constant 5.000000e-01 : f32
    %mul3A_104 = vector.broadcast %mul3A_103 : f32 to vector<16xf32>
    %mul3A_105 = arith.mulf %mul3A_104, %get3A_79 : vector<16xf32>
    %mul3A_106 = arith.mulf %mul3A_105, %mul3A_102 : vector<16xf32>
    %mul3A_107 = arith.mulf %mul3A_106, %mul3A_102 : vector<16xf32>
    %sub3A_108 = arith.constant 1.500000e+00 : f32
    %sub3A_109 = vector.broadcast %sub3A_108 : f32 to vector<16xf32>
    %sub3A_110 = arith.subf %sub3A_109, %mul3A_107 : vector<16xf32>
    %mul3A_111 = arith.mulf %mul3A_102, %sub3A_110 : vector<16xf32>
    %mul3A_112 = arith.mulf %mul3A_111, %mul3A_111 : vector<16xf32>
    %iota3A = tpu.iota {dimensions = array<i32: 0>} : vector<16xi32>
    %broadcast_in_dim3A_113 = arith.constant 1 : i32
    %broadcast_in_dim3A_114 = vector.broadcast %broadcast_in_dim3A_113 : i32 to vector<16xi32>
    %xor3A = arith.xori %iota3A, %broadcast_in_dim3A_114 : vector<16xi32>
    %lt3A = arith.constant 31 : i32
    %lt3A_115 = arith.cmpi slt, %add3A, %lt3A : i32
    %convert_element_type3A = arith.extui %lt3A_115 : i1 to i32
    %cond3A = arith.constant 0 : i32
    %cond3A_116 = arith.cmpi ne, %convert_element_type3A, %cond3A : i32
    scf.if %cond3A_116 {
      %parallel_loop3A = arith.constant 0 : i32
      %parallel_loop3A_135 = arith.constant 7056 : i32
      %parallel_loop3A_136 = arith.constant 16 : i32
      scf.for %parallel_loop3A_146 = %parallel_loop3A to %parallel_loop3A_135 step %parallel_loop3A_136  : i32 {
        %parallel_loop3A_147 = arith.constant 800 : i32
        %parallel_loop3A_148 = arith.subi %add3A_7, %parallel_loop3A_147 : i32
        %parallel_loop3A_149 = arith.addi %parallel_loop3A_148, %parallel_loop3A_146 : i32
        %parallel_loop3A_150 = arith.index_cast %parallel_loop3A_149 : i32 to index
        %parallel_loop3A_151 = tpu.vector_load %arg8[%parallel_loop3A_150] {strides = array<i32>} : memref<9456xf32, #tpu.memory_space<vmem>>, vector<16xf32>,
        %parallel_loop3A_152 = vector.shape_cast %parallel_loop3A_151 : vector<16xf32> to vector<16xf32>
        %parallel_loop3A_153 = arith.constant 2 : i32
        %parallel_loop3A_154 = arith.addi %parallel_loop3A_149, %parallel_loop3A_153 : i32
        %parallel_loop3A_155 = arith.index_cast %parallel_loop3A_154 : i32 to index
        %parallel_loop3A_156 = tpu.vector_load %arg8[%parallel_loop3A_155] {strides = array<i32>} : memref<9456xf32, #tpu.memory_space<vmem>>, vector<16xf32>,
        %parallel_loop3A_157 = vector.shape_cast %parallel_loop3A_156 : vector<16xf32> to vector<16xf32>
        %parallel_loop3A_158 = arith.constant 800 : i32
        %parallel_loop3A_159 = arith.addi %parallel_loop3A_149, %parallel_loop3A_158 : i32
        %parallel_loop3A_160 = arith.index_cast %parallel_loop3A_159 : i32 to index
        %parallel_loop3A_161 = tpu.vector_load %arg8[%parallel_loop3A_160] {strides = array<i32>} : memref<9456xf32, #tpu.memory_space<vmem>>, vector<16xf32>,
        %parallel_loop3A_162 = vector.shape_cast %parallel_loop3A_161 : vector<16xf32> to vector<16xf32>
        %parallel_loop3A_163 = arith.subf %parallel_loop3A_157, %parallel_loop3A_152 : vector<16xf32>
        %parallel_loop3A_164 = arith.mulf %parallel_loop3A_163, %parallel_loop3A_163 : vector<16xf32>
        %parallel_loop3A_165 = vector.shape_cast %xor3A : vector<16xi32> to vector<16x1xi32>
        %parallel_loop3A_166 = vector.shape_cast %parallel_loop3A_165 : vector<16x1xi32> to vector<16xi32>
        %parallel_loop3A_167 = tpu.dynamic_gather %parallel_loop3A_164[%parallel_loop3A_166] in [0] : vector<16xf32>, vector<16xi32> -> vector<16xf32>
        %parallel_loop3A_168 = arith.addf %parallel_loop3A_164, %parallel_loop3A_167 : vector<16xf32>
        %parallel_loop3A_169 = tpu.bitcast %parallel_loop3A_168 : vector<16xf32> -> vector<16xi32>
        %parallel_loop3A_170 = arith.constant 1597463007 : i32
        %parallel_loop3A_171 = vector.broadcast %parallel_loop3A_170 : i32 to vector<16xi32>
        %parallel_loop3A_172 = arith.constant 1 : i32
        %parallel_loop3A_173 = vector.broadcast %parallel_loop3A_172 : i32 to vector<16xi32>
        %parallel_loop3A_174 = arith.shrsi %parallel_loop3A_169, %parallel_loop3A_173 : vector<16xi32>
        %parallel_loop3A_175 = arith.subi %parallel_loop3A_171, %parallel_loop3A_174 : vector<16xi32>
        %parallel_loop3A_176 = tpu.bitcast %parallel_loop3A_175 : vector<16xi32> -> vector<16xf32>
        %parallel_loop3A_177 = arith.constant 5.000000e-01 : f32
        %parallel_loop3A_178 = vector.broadcast %parallel_loop3A_177 : f32 to vector<16xf32>
        %parallel_loop3A_179 = arith.mulf %parallel_loop3A_178, %parallel_loop3A_168 : vector<16xf32>
        %parallel_loop3A_180 = arith.mulf %parallel_loop3A_179, %parallel_loop3A_176 : vector<16xf32>
        %parallel_loop3A_181 = arith.mulf %parallel_loop3A_180, %parallel_loop3A_176 : vector<16xf32>
        %parallel_loop3A_182 = arith.constant 1.500000e+00 : f32
        %parallel_loop3A_183 = vector.broadcast %parallel_loop3A_182 : f32 to vector<16xf32>
        %parallel_loop3A_184 = arith.subf %parallel_loop3A_183, %parallel_loop3A_181 : vector<16xf32>
        %parallel_loop3A_185 = arith.mulf %parallel_loop3A_176, %parallel_loop3A_184 : vector<16xf32>
        %parallel_loop3A_186 = arith.mulf %mul3A_73, %parallel_loop3A_185 : vector<16xf32>
        %parallel_loop3A_187 = arith.subf %get3A_69, %parallel_loop3A_186 : vector<16xf32>
        %parallel_loop3A_188 = arith.mulf %parallel_loop3A_187, %parallel_loop3A_163 : vector<16xf32>
        %parallel_loop3A_189 = arith.subf %parallel_loop3A_162, %parallel_loop3A_152 : vector<16xf32>
        %parallel_loop3A_190 = arith.mulf %parallel_loop3A_189, %parallel_loop3A_189 : vector<16xf32>
        %parallel_loop3A_191 = vector.shape_cast %xor3A : vector<16xi32> to vector<16x1xi32>
        %parallel_loop3A_192 = vector.shape_cast %parallel_loop3A_191 : vector<16x1xi32> to vector<16xi32>
        %parallel_loop3A_193 = tpu.dynamic_gather %parallel_loop3A_190[%parallel_loop3A_192] in [0] : vector<16xf32>, vector<16xi32> -> vector<16xf32>
        %parallel_loop3A_194 = arith.addf %parallel_loop3A_190, %parallel_loop3A_193 : vector<16xf32>
        %parallel_loop3A_195 = tpu.bitcast %parallel_loop3A_194 : vector<16xf32> -> vector<16xi32>
        %parallel_loop3A_196 = arith.constant 1597463007 : i32
        %parallel_loop3A_197 = vector.broadcast %parallel_loop3A_196 : i32 to vector<16xi32>
        %parallel_loop3A_198 = arith.constant 1 : i32
        %parallel_loop3A_199 = vector.broadcast %parallel_loop3A_198 : i32 to vector<16xi32>
        %parallel_loop3A_200 = arith.shrsi %parallel_loop3A_195, %parallel_loop3A_199 : vector<16xi32>
        %parallel_loop3A_201 = arith.subi %parallel_loop3A_197, %parallel_loop3A_200 : vector<16xi32>
        %parallel_loop3A_202 = tpu.bitcast %parallel_loop3A_201 : vector<16xi32> -> vector<16xf32>
        %parallel_loop3A_203 = arith.constant 5.000000e-01 : f32
        %parallel_loop3A_204 = vector.broadcast %parallel_loop3A_203 : f32 to vector<16xf32>
        %parallel_loop3A_205 = arith.mulf %parallel_loop3A_204, %parallel_loop3A_194 : vector<16xf32>
        %parallel_loop3A_206 = arith.mulf %parallel_loop3A_205, %parallel_loop3A_202 : vector<16xf32>
        %parallel_loop3A_207 = arith.mulf %parallel_loop3A_206, %parallel_loop3A_202 : vector<16xf32>
        %parallel_loop3A_208 = arith.constant 1.500000e+00 : f32
        %parallel_loop3A_209 = vector.broadcast %parallel_loop3A_208 : f32 to vector<16xf32>
        %parallel_loop3A_210 = arith.subf %parallel_loop3A_209, %parallel_loop3A_207 : vector<16xf32>
        %parallel_loop3A_211 = arith.mulf %parallel_loop3A_202, %parallel_loop3A_210 : vector<16xf32>
        %parallel_loop3A_212 = arith.mulf %mul3A_73, %parallel_loop3A_211 : vector<16xf32>
        %parallel_loop3A_213 = arith.subf %get3A_69, %parallel_loop3A_212 : vector<16xf32>
        %parallel_loop3A_214 = arith.mulf %parallel_loop3A_213, %parallel_loop3A_189 : vector<16xf32>
        %parallel_loop3A_215 = arith.index_cast %parallel_loop3A_146 : i32 to index
        %parallel_loop3A_216 = tpu.vector_load %arg12[%parallel_loop3A_215] {strides = array<i32>} : memref<7056xf32, #tpu.memory_space<vmem>>, vector<16xf32>,
        %parallel_loop3A_217 = vector.shape_cast %parallel_loop3A_216 : vector<16xf32> to vector<16xf32>
        %parallel_loop3A_218 = vector.shape_cast %parallel_loop3A_188 : vector<16xf32> to vector<16xf32>
        tpu.vector_store %arg12[%parallel_loop3A_215], %parallel_loop3A_218 {strides = array<i32>} : memref<7056xf32, #tpu.memory_space<vmem>>, vector<16xf32>,
        %parallel_loop3A_219 = arith.index_cast %parallel_loop3A_146 : i32 to index
        %parallel_loop3A_220 = tpu.vector_load %arg13[%parallel_loop3A_219] {strides = array<i32>} : memref<7056xf32, #tpu.memory_space<vmem>>, vector<16xf32>,
        %parallel_loop3A_221 = vector.shape_cast %parallel_loop3A_220 : vector<16xf32> to vector<16xf32>
        %parallel_loop3A_222 = vector.shape_cast %parallel_loop3A_214 : vector<16xf32> to vector<16xf32>
        tpu.vector_store %arg13[%parallel_loop3A_219], %parallel_loop3A_222 {strides = array<i32>} : memref<7056xf32, #tpu.memory_space<vmem>>, vector<16xf32>,
      } {sc.loop_unroll_factor = 4 : i64, sc.parallel_access}
      %dma_wait3A_137 = arith.constant 0 : i32
      %dma_wait3A_138 = tpu.memref_slice %arg9[%dma_wait3A_137] : memref<6448xf32, #tpu.memory_space<vmem>> -> memref<6256xf32, #tpu.memory_space<vmem>>
      %dma_wait3A_139 = tpu.memref_slice %arg2[%multiple_of3A_12] : memref<400000xf32, #tpu.memory_space<hbm>> -> memref<6256xf32, #tpu.memory_space<hbm>>
      %dma_wait3A_140 = arith.constant 0 : i32
      %dma_wait3A_141 = tpu.memref_slice %arg9[%dma_wait3A_140] : memref<6448xf32, #tpu.memory_space<vmem>> -> memref<6256xf32, #tpu.memory_space<vmem>>
      %dma_wait3A_142 = tpu.memref_slice %arg2[%multiple_of3A_12] : memref<400000xf32, #tpu.memory_space<hbm>> -> memref<6256xf32, #tpu.memory_space<hbm>>
      tpu.wait_dma2 semaphore(%arg15 : memref<!tpu.dma_semaphore, #tpu.memory_space<semaphore_mem>>) src(%dma_wait3A_142 : memref<6256xf32, #tpu.memory_space<hbm>>) dst(%dma_wait3A_141 : memref<6256xf32, #tpu.memory_space<vmem>>)
      %parallel_loop3A_143 = arith.constant 0 : i32
      %parallel_loop3A_144 = arith.constant 6256 : i32
      %parallel_loop3A_145 = arith.constant 16 : i32
      scf.for %parallel_loop3A_146 = %parallel_loop3A_143 to %parallel_loop3A_144 step %parallel_loop3A_145  : i32 {
        %parallel_loop3A_147 = arith.constant 800 : i32
        %parallel_loop3A_148 = arith.addi %parallel_loop3A_146, %parallel_loop3A_147 : i32
        %parallel_loop3A_149 = arith.index_cast %parallel_loop3A_148 : i32 to index
        %parallel_loop3A_150 = tpu.vector_load %arg12[%parallel_loop3A_149] {strides = array<i32>} : memref<7056xf32, #tpu.memory_space<vmem>>, vector<16xf32>,
        %parallel_loop3A_151 = vector.shape_cast %parallel_loop3A_150 : vector<16xf32> to vector<16xf32>
        %parallel_loop3A_152 = arith.constant 800 : i32
        %parallel_loop3A_153 = arith.addi %parallel_loop3A_146, %parallel_loop3A_152 : i32
        %parallel_loop3A_154 = arith.constant 2 : i32
        %parallel_loop3A_155 = arith.subi %parallel_loop3A_153, %parallel_loop3A_154 : i32
        %parallel_loop3A_156 = arith.index_cast %parallel_loop3A_155 : i32 to index
        %parallel_loop3A_157 = tpu.vector_load %arg12[%parallel_loop3A_156] {strides = array<i32>} : memref<7056xf32, #tpu.memory_space<vmem>>, vector<16xf32>,
        %parallel_loop3A_158 = vector.shape_cast %parallel_loop3A_157 : vector<16xf32> to vector<16xf32>
        %parallel_loop3A_159 = arith.constant 800 : i32
        %parallel_loop3A_160 = arith.addi %parallel_loop3A_146, %parallel_loop3A_159 : i32
        %parallel_loop3A_161 = arith.index_cast %parallel_loop3A_160 : i32 to index
        %parallel_loop3A_162 = tpu.vector_load %arg13[%parallel_loop3A_161] {strides = array<i32>} : memref<7056xf32, #tpu.memory_space<vmem>>, vector<16xf32>,
        %parallel_loop3A_163 = vector.shape_cast %parallel_loop3A_162 : vector<16xf32> to vector<16xf32>
        %parallel_loop3A_164 = arith.index_cast %parallel_loop3A_146 : i32 to index
        %parallel_loop3A_165 = tpu.vector_load %arg13[%parallel_loop3A_164] {strides = array<i32>} : memref<7056xf32, #tpu.memory_space<vmem>>, vector<16xf32>,
        %parallel_loop3A_166 = vector.shape_cast %parallel_loop3A_165 : vector<16xf32> to vector<16xf32>
        %parallel_loop3A_167 = arith.addi %sub3A_15, %parallel_loop3A_146 : i32
        %parallel_loop3A_168 = arith.index_cast %parallel_loop3A_167 : i32 to index
        %parallel_loop3A_169 = tpu.vector_load %arg9[%parallel_loop3A_168] {strides = array<i32>} : memref<6448xf32, #tpu.memory_space<vmem>>, vector<16xf32>,
        %parallel_loop3A_170 = vector.shape_cast %parallel_loop3A_169 : vector<16xf32> to vector<16xf32>
        %parallel_loop3A_171 = arith.subf %parallel_loop3A_151, %parallel_loop3A_158 : vector<16xf32>
        %parallel_loop3A_172 = arith.subf %parallel_loop3A_163, %parallel_loop3A_166 : vector<16xf32>
        %parallel_loop3A_173 = arith.addf %parallel_loop3A_171, %parallel_loop3A_172 : vector<16xf32>
        %parallel_loop3A_174 = arith.addi %mul3A_2, %parallel_loop3A_146 : i32
        %parallel_loop3A_175 = vector.broadcast %parallel_loop3A_174 : i32 to vector<16xi32>
        %parallel_loop3A_176 = arith.addi %parallel_loop3A_175, %iota3A : vector<16xi32>
        %parallel_loop3A_177 = arith.constant 1 : i32
        %parallel_loop3A_178 = vector.broadcast %parallel_loop3A_177 : i32 to vector<16xi32>
        %parallel_loop3A_179 = arith.shrui %parallel_loop3A_176, %parallel_loop3A_178 : vector<16xi32>
        %parallel_loop3A_180 = arith.sitofp %parallel_loop3A_179 : vector<16xi32> to vector<16xf32>
        %parallel_loop3A_181 = arith.constant 5.000000e-01 : f32
        %parallel_loop3A_182 = vector.broadcast %parallel_loop3A_181 : f32 to vector<16xf32>
        %parallel_loop3A_183 = arith.addf %parallel_loop3A_180, %parallel_loop3A_182 : vector<16xf32>
        %parallel_loop3A_184 = arith.constant 2.500000e-03 : f32
        %parallel_loop3A_185 = vector.broadcast %parallel_loop3A_184 : f32 to vector<16xf32>
        %parallel_loop3A_186 = arith.mulf %parallel_loop3A_183, %parallel_loop3A_185 : vector<16xf32>
        %parallel_loop3A_187 = arith.fptosi %parallel_loop3A_186 : vector<16xf32> to vector<16xi32>
        %parallel_loop3A_188 = arith.constant 400 : i32
        %parallel_loop3A_189 = vector.broadcast %parallel_loop3A_188 : i32 to vector<16xi32>
        %parallel_loop3A_190 = arith.muli %parallel_loop3A_187, %parallel_loop3A_189 : vector<16xi32>
        %parallel_loop3A_191 = arith.subi %parallel_loop3A_179, %parallel_loop3A_190 : vector<16xi32>
        %parallel_loop3A_192 = arith.constant 1 : i32
        %parallel_loop3A_193 = vector.broadcast %parallel_loop3A_192 : i32 to vector<16xi32>
        %parallel_loop3A_194 = arith.minsi %parallel_loop3A_187, %parallel_loop3A_193 : vector<16xi32>
        %parallel_loop3A_195 = arith.constant 249 : i32
        %parallel_loop3A_196 = vector.broadcast %parallel_loop3A_195 : i32 to vector<16xi32>
        %parallel_loop3A_197 = arith.subi %parallel_loop3A_196, %parallel_loop3A_187 : vector<16xi32>
        %parallel_loop3A_198 = arith.minsi %parallel_loop3A_197, %parallel_loop3A_193 : vector<16xi32>
        %parallel_loop3A_199 = arith.muli %parallel_loop3A_194, %parallel_loop3A_198 : vector<16xi32>
        %parallel_loop3A_200 = arith.minsi %parallel_loop3A_191, %parallel_loop3A_193 : vector<16xi32>
        %parallel_loop3A_201 = arith.muli %parallel_loop3A_199, %parallel_loop3A_200 : vector<16xi32>
        %parallel_loop3A_202 = arith.constant 399 : i32
        %parallel_loop3A_203 = vector.broadcast %parallel_loop3A_202 : i32 to vector<16xi32>
        %parallel_loop3A_204 = arith.subi %parallel_loop3A_203, %parallel_loop3A_191 : vector<16xi32>
        %parallel_loop3A_205 = arith.minsi %parallel_loop3A_204, %parallel_loop3A_193 : vector<16xi32>
        %parallel_loop3A_206 = arith.muli %parallel_loop3A_201, %parallel_loop3A_205 : vector<16xi32>
        %parallel_loop3A_207 = arith.sitofp %parallel_loop3A_206 : vector<16xi32> to vector<16xf32>
        %parallel_loop3A_208 = arith.mulf %get3A_76, %parallel_loop3A_170 : vector<16xf32>
        %parallel_loop3A_209 = arith.subf %parallel_loop3A_173, %parallel_loop3A_208 : vector<16xf32>
        %parallel_loop3A_210 = arith.mulf %parallel_loop3A_209, %mul3A_112 : vector<16xf32>
        %parallel_loop3A_211 = arith.mulf %parallel_loop3A_207, %parallel_loop3A_170 : vector<16xf32>
        %parallel_loop3A_212 = arith.index_cast %parallel_loop3A_146 : i32 to index
        %parallel_loop3A_213 = tpu.vector_load %arg10[%parallel_loop3A_212] {strides = array<i32>} : memref<6256xf32, #tpu.memory_space<vmem>>, vector<16xf32>,
        %parallel_loop3A_214 = vector.shape_cast %parallel_loop3A_213 : vector<16xf32> to vector<16xf32>
        %parallel_loop3A_215 = vector.shape_cast %parallel_loop3A_211 : vector<16xf32> to vector<16xf32>
        tpu.vector_store %arg10[%parallel_loop3A_212], %parallel_loop3A_215 {strides = array<i32>} : memref<6256xf32, #tpu.memory_space<vmem>>, vector<16xf32>,
        %parallel_loop3A_216 = arith.mulf %parallel_loop3A_207, %parallel_loop3A_210 : vector<16xf32>
        %parallel_loop3A_217 = arith.index_cast %parallel_loop3A_146 : i32 to index
        %parallel_loop3A_218 = tpu.vector_load %arg11[%parallel_loop3A_217] {strides = array<i32>} : memref<6256xf32, #tpu.memory_space<vmem>>, vector<16xf32>,
        %parallel_loop3A_219 = vector.shape_cast %parallel_loop3A_218 : vector<16xf32> to vector<16xf32>
        %parallel_loop3A_220 = vector.shape_cast %parallel_loop3A_216 : vector<16xf32> to vector<16xf32>
        tpu.vector_store %arg11[%parallel_loop3A_217], %parallel_loop3A_220 {strides = array<i32>} : memref<6256xf32, #tpu.memory_space<vmem>>, vector<16xf32>,
      } {sc.loop_unroll_factor = 4 : i64, sc.parallel_access}
    } else {
    }
    %ge3A = arith.constant 31 : i32
    %ge3A_117 = arith.cmpi sge, %add3A, %ge3A : i32
    %convert_element_type3A_118 = arith.extui %ge3A_117 : i1 to i32
    %cond3A_119 = arith.constant 0 : i32
    %cond3A_120 = arith.cmpi ne, %convert_element_type3A_118, %cond3A_119 : i32
    scf.if %cond3A_120 {
      %parallel_loop3A = arith.constant 0 : i32
      %parallel_loop3A_135 = arith.constant 6864 : i32
      %parallel_loop3A_136 = arith.constant 16 : i32
      scf.for %parallel_loop3A_146 = %parallel_loop3A to %parallel_loop3A_135 step %parallel_loop3A_136  : i32 {
        %parallel_loop3A_147 = arith.constant 800 : i32
        %parallel_loop3A_148 = arith.subi %add3A_7, %parallel_loop3A_147 : i32
        %parallel_loop3A_149 = arith.addi %parallel_loop3A_148, %parallel_loop3A_146 : i32
        %parallel_loop3A_150 = arith.index_cast %parallel_loop3A_149 : i32 to index
        %parallel_loop3A_151 = tpu.vector_load %arg8[%parallel_loop3A_150] {strides = array<i32>} : memref<9456xf32, #tpu.memory_space<vmem>>, vector<16xf32>,
        %parallel_loop3A_152 = vector.shape_cast %parallel_loop3A_151 : vector<16xf32> to vector<16xf32>
        %parallel_loop3A_153 = arith.constant 2 : i32
        %parallel_loop3A_154 = arith.addi %parallel_loop3A_149, %parallel_loop3A_153 : i32
        %parallel_loop3A_155 = arith.index_cast %parallel_loop3A_154 : i32 to index
        %parallel_loop3A_156 = tpu.vector_load %arg8[%parallel_loop3A_155] {strides = array<i32>} : memref<9456xf32, #tpu.memory_space<vmem>>, vector<16xf32>,
        %parallel_loop3A_157 = vector.shape_cast %parallel_loop3A_156 : vector<16xf32> to vector<16xf32>
        %parallel_loop3A_158 = arith.constant 800 : i32
        %parallel_loop3A_159 = arith.addi %parallel_loop3A_149, %parallel_loop3A_158 : i32
        %parallel_loop3A_160 = arith.index_cast %parallel_loop3A_159 : i32 to index
        %parallel_loop3A_161 = tpu.vector_load %arg8[%parallel_loop3A_160] {strides = array<i32>} : memref<9456xf32, #tpu.memory_space<vmem>>, vector<16xf32>,
        %parallel_loop3A_162 = vector.shape_cast %parallel_loop3A_161 : vector<16xf32> to vector<16xf32>
        %parallel_loop3A_163 = arith.subf %parallel_loop3A_157, %parallel_loop3A_152 : vector<16xf32>
        %parallel_loop3A_164 = arith.mulf %parallel_loop3A_163, %parallel_loop3A_163 : vector<16xf32>
        %parallel_loop3A_165 = vector.shape_cast %xor3A : vector<16xi32> to vector<16x1xi32>
        %parallel_loop3A_166 = vector.shape_cast %parallel_loop3A_165 : vector<16x1xi32> to vector<16xi32>
        %parallel_loop3A_167 = tpu.dynamic_gather %parallel_loop3A_164[%parallel_loop3A_166] in [0] : vector<16xf32>, vector<16xi32> -> vector<16xf32>
        %parallel_loop3A_168 = arith.addf %parallel_loop3A_164, %parallel_loop3A_167 : vector<16xf32>
        %parallel_loop3A_169 = tpu.bitcast %parallel_loop3A_168 : vector<16xf32> -> vector<16xi32>
        %parallel_loop3A_170 = arith.constant 1597463007 : i32
        %parallel_loop3A_171 = vector.broadcast %parallel_loop3A_170 : i32 to vector<16xi32>
        %parallel_loop3A_172 = arith.constant 1 : i32
        %parallel_loop3A_173 = vector.broadcast %parallel_loop3A_172 : i32 to vector<16xi32>
        %parallel_loop3A_174 = arith.shrsi %parallel_loop3A_169, %parallel_loop3A_173 : vector<16xi32>
        %parallel_loop3A_175 = arith.subi %parallel_loop3A_171, %parallel_loop3A_174 : vector<16xi32>
        %parallel_loop3A_176 = tpu.bitcast %parallel_loop3A_175 : vector<16xi32> -> vector<16xf32>
        %parallel_loop3A_177 = arith.constant 5.000000e-01 : f32
        %parallel_loop3A_178 = vector.broadcast %parallel_loop3A_177 : f32 to vector<16xf32>
        %parallel_loop3A_179 = arith.mulf %parallel_loop3A_178, %parallel_loop3A_168 : vector<16xf32>
        %parallel_loop3A_180 = arith.mulf %parallel_loop3A_179, %parallel_loop3A_176 : vector<16xf32>
        %parallel_loop3A_181 = arith.mulf %parallel_loop3A_180, %parallel_loop3A_176 : vector<16xf32>
        %parallel_loop3A_182 = arith.constant 1.500000e+00 : f32
        %parallel_loop3A_183 = vector.broadcast %parallel_loop3A_182 : f32 to vector<16xf32>
        %parallel_loop3A_184 = arith.subf %parallel_loop3A_183, %parallel_loop3A_181 : vector<16xf32>
        %parallel_loop3A_185 = arith.mulf %parallel_loop3A_176, %parallel_loop3A_184 : vector<16xf32>
        %parallel_loop3A_186 = arith.mulf %mul3A_73, %parallel_loop3A_185 : vector<16xf32>
        %parallel_loop3A_187 = arith.subf %get3A_69, %parallel_loop3A_186 : vector<16xf32>
        %parallel_loop3A_188 = arith.mulf %parallel_loop3A_187, %parallel_loop3A_163 : vector<16xf32>
        %parallel_loop3A_189 = arith.subf %parallel_loop3A_162, %parallel_loop3A_152 : vector<16xf32>
        %parallel_loop3A_190 = arith.mulf %parallel_loop3A_189, %parallel_loop3A_189 : vector<16xf32>
        %parallel_loop3A_191 = vector.shape_cast %xor3A : vector<16xi32> to vector<16x1xi32>
        %parallel_loop3A_192 = vector.shape_cast %parallel_loop3A_191 : vector<16x1xi32> to vector<16xi32>
        %parallel_loop3A_193 = tpu.dynamic_gather %parallel_loop3A_190[%parallel_loop3A_192] in [0] : vector<16xf32>, vector<16xi32> -> vector<16xf32>
        %parallel_loop3A_194 = arith.addf %parallel_loop3A_190, %parallel_loop3A_193 : vector<16xf32>
        %parallel_loop3A_195 = tpu.bitcast %parallel_loop3A_194 : vector<16xf32> -> vector<16xi32>
        %parallel_loop3A_196 = arith.constant 1597463007 : i32
        %parallel_loop3A_197 = vector.broadcast %parallel_loop3A_196 : i32 to vector<16xi32>
        %parallel_loop3A_198 = arith.constant 1 : i32
        %parallel_loop3A_199 = vector.broadcast %parallel_loop3A_198 : i32 to vector<16xi32>
        %parallel_loop3A_200 = arith.shrsi %parallel_loop3A_195, %parallel_loop3A_199 : vector<16xi32>
        %parallel_loop3A_201 = arith.subi %parallel_loop3A_197, %parallel_loop3A_200 : vector<16xi32>
        %parallel_loop3A_202 = tpu.bitcast %parallel_loop3A_201 : vector<16xi32> -> vector<16xf32>
        %parallel_loop3A_203 = arith.constant 5.000000e-01 : f32
        %parallel_loop3A_204 = vector.broadcast %parallel_loop3A_203 : f32 to vector<16xf32>
        %parallel_loop3A_205 = arith.mulf %parallel_loop3A_204, %parallel_loop3A_194 : vector<16xf32>
        %parallel_loop3A_206 = arith.mulf %parallel_loop3A_205, %parallel_loop3A_202 : vector<16xf32>
        %parallel_loop3A_207 = arith.mulf %parallel_loop3A_206, %parallel_loop3A_202 : vector<16xf32>
        %parallel_loop3A_208 = arith.constant 1.500000e+00 : f32
        %parallel_loop3A_209 = vector.broadcast %parallel_loop3A_208 : f32 to vector<16xf32>
        %parallel_loop3A_210 = arith.subf %parallel_loop3A_209, %parallel_loop3A_207 : vector<16xf32>
        %parallel_loop3A_211 = arith.mulf %parallel_loop3A_202, %parallel_loop3A_210 : vector<16xf32>
        %parallel_loop3A_212 = arith.mulf %mul3A_73, %parallel_loop3A_211 : vector<16xf32>
        %parallel_loop3A_213 = arith.subf %get3A_69, %parallel_loop3A_212 : vector<16xf32>
        %parallel_loop3A_214 = arith.mulf %parallel_loop3A_213, %parallel_loop3A_189 : vector<16xf32>
        %parallel_loop3A_215 = arith.index_cast %parallel_loop3A_146 : i32 to index
        %parallel_loop3A_216 = tpu.vector_load %arg12[%parallel_loop3A_215] {strides = array<i32>} : memref<7056xf32, #tpu.memory_space<vmem>>, vector<16xf32>,
        %parallel_loop3A_217 = vector.shape_cast %parallel_loop3A_216 : vector<16xf32> to vector<16xf32>
        %parallel_loop3A_218 = vector.shape_cast %parallel_loop3A_188 : vector<16xf32> to vector<16xf32>
        tpu.vector_store %arg12[%parallel_loop3A_215], %parallel_loop3A_218 {strides = array<i32>} : memref<7056xf32, #tpu.memory_space<vmem>>, vector<16xf32>,
        %parallel_loop3A_219 = arith.index_cast %parallel_loop3A_146 : i32 to index
        %parallel_loop3A_220 = tpu.vector_load %arg13[%parallel_loop3A_219] {strides = array<i32>} : memref<7056xf32, #tpu.memory_space<vmem>>, vector<16xf32>,
        %parallel_loop3A_221 = vector.shape_cast %parallel_loop3A_220 : vector<16xf32> to vector<16xf32>
        %parallel_loop3A_222 = vector.shape_cast %parallel_loop3A_214 : vector<16xf32> to vector<16xf32>
        tpu.vector_store %arg13[%parallel_loop3A_219], %parallel_loop3A_222 {strides = array<i32>} : memref<7056xf32, #tpu.memory_space<vmem>>, vector<16xf32>,
      } {sc.loop_unroll_factor = 4 : i64, sc.parallel_access}
      %dma_wait3A_137 = arith.constant 0 : i32
      %dma_wait3A_138 = tpu.memref_slice %arg9[%dma_wait3A_137] : memref<6448xf32, #tpu.memory_space<vmem>> -> memref<6256xf32, #tpu.memory_space<vmem>>
      %dma_wait3A_139 = tpu.memref_slice %arg2[%multiple_of3A_12] : memref<400000xf32, #tpu.memory_space<hbm>> -> memref<6256xf32, #tpu.memory_space<hbm>>
      %dma_wait3A_140 = arith.constant 0 : i32
      %dma_wait3A_141 = tpu.memref_slice %arg9[%dma_wait3A_140] : memref<6448xf32, #tpu.memory_space<vmem>> -> memref<6256xf32, #tpu.memory_space<vmem>>
      %dma_wait3A_142 = tpu.memref_slice %arg2[%multiple_of3A_12] : memref<400000xf32, #tpu.memory_space<hbm>> -> memref<6256xf32, #tpu.memory_space<hbm>>
      tpu.wait_dma2 semaphore(%arg15 : memref<!tpu.dma_semaphore, #tpu.memory_space<semaphore_mem>>) src(%dma_wait3A_142 : memref<6256xf32, #tpu.memory_space<hbm>>) dst(%dma_wait3A_141 : memref<6256xf32, #tpu.memory_space<vmem>>)
      %parallel_loop3A_143 = arith.constant 0 : i32
      %parallel_loop3A_144 = arith.constant 6064 : i32
      %parallel_loop3A_145 = arith.constant 16 : i32
      scf.for %parallel_loop3A_146 = %parallel_loop3A_143 to %parallel_loop3A_144 step %parallel_loop3A_145  : i32 {
        %parallel_loop3A_147 = arith.constant 800 : i32
        %parallel_loop3A_148 = arith.addi %parallel_loop3A_146, %parallel_loop3A_147 : i32
        %parallel_loop3A_149 = arith.index_cast %parallel_loop3A_148 : i32 to index
        %parallel_loop3A_150 = tpu.vector_load %arg12[%parallel_loop3A_149] {strides = array<i32>} : memref<7056xf32, #tpu.memory_space<vmem>>, vector<16xf32>,
        %parallel_loop3A_151 = vector.shape_cast %parallel_loop3A_150 : vector<16xf32> to vector<16xf32>
        %parallel_loop3A_152 = arith.constant 800 : i32
        %parallel_loop3A_153 = arith.addi %parallel_loop3A_146, %parallel_loop3A_152 : i32
        %parallel_loop3A_154 = arith.constant 2 : i32
        %parallel_loop3A_155 = arith.subi %parallel_loop3A_153, %parallel_loop3A_154 : i32
        %parallel_loop3A_156 = arith.index_cast %parallel_loop3A_155 : i32 to index
        %parallel_loop3A_157 = tpu.vector_load %arg12[%parallel_loop3A_156] {strides = array<i32>} : memref<7056xf32, #tpu.memory_space<vmem>>, vector<16xf32>,
        %parallel_loop3A_158 = vector.shape_cast %parallel_loop3A_157 : vector<16xf32> to vector<16xf32>
        %parallel_loop3A_159 = arith.constant 800 : i32
        %parallel_loop3A_160 = arith.addi %parallel_loop3A_146, %parallel_loop3A_159 : i32
        %parallel_loop3A_161 = arith.index_cast %parallel_loop3A_160 : i32 to index
        %parallel_loop3A_162 = tpu.vector_load %arg13[%parallel_loop3A_161] {strides = array<i32>} : memref<7056xf32, #tpu.memory_space<vmem>>, vector<16xf32>,
        %parallel_loop3A_163 = vector.shape_cast %parallel_loop3A_162 : vector<16xf32> to vector<16xf32>
        %parallel_loop3A_164 = arith.index_cast %parallel_loop3A_146 : i32 to index
        %parallel_loop3A_165 = tpu.vector_load %arg13[%parallel_loop3A_164] {strides = array<i32>} : memref<7056xf32, #tpu.memory_space<vmem>>, vector<16xf32>,
        %parallel_loop3A_166 = vector.shape_cast %parallel_loop3A_165 : vector<16xf32> to vector<16xf32>
        %parallel_loop3A_167 = arith.addi %sub3A_15, %parallel_loop3A_146 : i32
        %parallel_loop3A_168 = arith.index_cast %parallel_loop3A_167 : i32 to index
        %parallel_loop3A_169 = tpu.vector_load %arg9[%parallel_loop3A_168] {strides = array<i32>} : memref<6448xf32, #tpu.memory_space<vmem>>, vector<16xf32>,
        %parallel_loop3A_170 = vector.shape_cast %parallel_loop3A_169 : vector<16xf32> to vector<16xf32>
        %parallel_loop3A_171 = arith.subf %parallel_loop3A_151, %parallel_loop3A_158 : vector<16xf32>
        %parallel_loop3A_172 = arith.subf %parallel_loop3A_163, %parallel_loop3A_166 : vector<16xf32>
        %parallel_loop3A_173 = arith.addf %parallel_loop3A_171, %parallel_loop3A_172 : vector<16xf32>
        %parallel_loop3A_174 = arith.addi %mul3A_2, %parallel_loop3A_146 : i32
        %parallel_loop3A_175 = vector.broadcast %parallel_loop3A_174 : i32 to vector<16xi32>
        %parallel_loop3A_176 = arith.addi %parallel_loop3A_175, %iota3A : vector<16xi32>
        %parallel_loop3A_177 = arith.constant 1 : i32
        %parallel_loop3A_178 = vector.broadcast %parallel_loop3A_177 : i32 to vector<16xi32>
        %parallel_loop3A_179 = arith.shrui %parallel_loop3A_176, %parallel_loop3A_178 : vector<16xi32>
        %parallel_loop3A_180 = arith.sitofp %parallel_loop3A_179 : vector<16xi32> to vector<16xf32>
        %parallel_loop3A_181 = arith.constant 5.000000e-01 : f32
        %parallel_loop3A_182 = vector.broadcast %parallel_loop3A_181 : f32 to vector<16xf32>
        %parallel_loop3A_183 = arith.addf %parallel_loop3A_180, %parallel_loop3A_182 : vector<16xf32>
        %parallel_loop3A_184 = arith.constant 2.500000e-03 : f32
        %parallel_loop3A_185 = vector.broadcast %parallel_loop3A_184 : f32 to vector<16xf32>
        %parallel_loop3A_186 = arith.mulf %parallel_loop3A_183, %parallel_loop3A_185 : vector<16xf32>
        %parallel_loop3A_187 = arith.fptosi %parallel_loop3A_186 : vector<16xf32> to vector<16xi32>
        %parallel_loop3A_188 = arith.constant 400 : i32
        %parallel_loop3A_189 = vector.broadcast %parallel_loop3A_188 : i32 to vector<16xi32>
        %parallel_loop3A_190 = arith.muli %parallel_loop3A_187, %parallel_loop3A_189 : vector<16xi32>
        %parallel_loop3A_191 = arith.subi %parallel_loop3A_179, %parallel_loop3A_190 : vector<16xi32>
        %parallel_loop3A_192 = arith.constant 1 : i32
        %parallel_loop3A_193 = vector.broadcast %parallel_loop3A_192 : i32 to vector<16xi32>
        %parallel_loop3A_194 = arith.minsi %parallel_loop3A_187, %parallel_loop3A_193 : vector<16xi32>
        %parallel_loop3A_195 = arith.constant 249 : i32
        %parallel_loop3A_196 = vector.broadcast %parallel_loop3A_195 : i32 to vector<16xi32>
        %parallel_loop3A_197 = arith.subi %parallel_loop3A_196, %parallel_loop3A_187 : vector<16xi32>
        %parallel_loop3A_198 = arith.minsi %parallel_loop3A_197, %parallel_loop3A_193 : vector<16xi32>
        %parallel_loop3A_199 = arith.muli %parallel_loop3A_194, %parallel_loop3A_198 : vector<16xi32>
        %parallel_loop3A_200 = arith.minsi %parallel_loop3A_191, %parallel_loop3A_193 : vector<16xi32>
        %parallel_loop3A_201 = arith.muli %parallel_loop3A_199, %parallel_loop3A_200 : vector<16xi32>
        %parallel_loop3A_202 = arith.constant 399 : i32
        %parallel_loop3A_203 = vector.broadcast %parallel_loop3A_202 : i32 to vector<16xi32>
        %parallel_loop3A_204 = arith.subi %parallel_loop3A_203, %parallel_loop3A_191 : vector<16xi32>
        %parallel_loop3A_205 = arith.minsi %parallel_loop3A_204, %parallel_loop3A_193 : vector<16xi32>
        %parallel_loop3A_206 = arith.muli %parallel_loop3A_201, %parallel_loop3A_205 : vector<16xi32>
        %parallel_loop3A_207 = arith.sitofp %parallel_loop3A_206 : vector<16xi32> to vector<16xf32>
        %parallel_loop3A_208 = arith.mulf %get3A_76, %parallel_loop3A_170 : vector<16xf32>
        %parallel_loop3A_209 = arith.subf %parallel_loop3A_173, %parallel_loop3A_208 : vector<16xf32>
        %parallel_loop3A_210 = arith.mulf %parallel_loop3A_209, %mul3A_112 : vector<16xf32>
        %parallel_loop3A_211 = arith.mulf %parallel_loop3A_207, %parallel_loop3A_170 : vector<16xf32>
        %parallel_loop3A_212 = arith.index_cast %parallel_loop3A_146 : i32 to index
        %parallel_loop3A_213 = tpu.vector_load %arg10[%parallel_loop3A_212] {strides = array<i32>} : memref<6256xf32, #tpu.memory_space<vmem>>, vector<16xf32>,
        %parallel_loop3A_214 = vector.shape_cast %parallel_loop3A_213 : vector<16xf32> to vector<16xf32>
        %parallel_loop3A_215 = vector.shape_cast %parallel_loop3A_211 : vector<16xf32> to vector<16xf32>
        tpu.vector_store %arg10[%parallel_loop3A_212], %parallel_loop3A_215 {strides = array<i32>} : memref<6256xf32, #tpu.memory_space<vmem>>, vector<16xf32>,
        %parallel_loop3A_216 = arith.mulf %parallel_loop3A_207, %parallel_loop3A_210 : vector<16xf32>
        %parallel_loop3A_217 = arith.index_cast %parallel_loop3A_146 : i32 to index
        %parallel_loop3A_218 = tpu.vector_load %arg11[%parallel_loop3A_217] {strides = array<i32>} : memref<6256xf32, #tpu.memory_space<vmem>>, vector<16xf32>,
        %parallel_loop3A_219 = vector.shape_cast %parallel_loop3A_218 : vector<16xf32> to vector<16xf32>
        %parallel_loop3A_220 = vector.shape_cast %parallel_loop3A_216 : vector<16xf32> to vector<16xf32>
        tpu.vector_store %arg11[%parallel_loop3A_217], %parallel_loop3A_220 {strides = array<i32>} : memref<6256xf32, #tpu.memory_space<vmem>>, vector<16xf32>,
      } {sc.loop_unroll_factor = 4 : i64, sc.parallel_access}
    } else {
    }
    %multiple_of3A_121 = tpu.assume_multiple %mul3A_2, 8 : i32
    %add3A_122 = arith.constant 200000 : i32
    %add3A_123 = arith.addi %add3A_122, %mul3A_2 : i32
    %multiple_of3A_124 = tpu.assume_multiple %add3A_123, 8 : i32
    %lt3A_125 = arith.constant 31 : i32
    %lt3A_126 = arith.cmpi slt, %add3A, %lt3A_125 : i32
    %convert_element_type3A_127 = arith.extui %lt3A_126 : i1 to i32
    %cond3A_128 = arith.constant 0 : i32
    %cond3A_129 = arith.cmpi ne, %convert_element_type3A_127, %cond3A_128 : i32
    scf.if %cond3A_129 {
      "tpu.region"() ({
        %run_scoped3A = tpu.sem_alloc : memref<!tpu.dma_semaphore, #tpu.memory_space<semaphore_mem>>
        %dma_start3A_135 = arith.constant 0 : i32
        %dma_start3A_136 = tpu.memref_slice %arg10[%dma_start3A_135] : memref<6256xf32, #tpu.memory_space<vmem>> -> memref<6256xf32, #tpu.memory_space<vmem>>
        %dma_start3A_137 = tpu.memref_slice %arg7[%multiple_of3A_121] : memref<400000xf32, #tpu.memory_space<hbm>> -> memref<6256xf32, #tpu.memory_space<hbm>>
        %dma_start3A_138 = tpu.memref_slice %arg7[%multiple_of3A_121] : memref<400000xf32, #tpu.memory_space<hbm>> -> memref<6256xf32, #tpu.memory_space<hbm>>
        %dma_start3A_139 = arith.constant 0 : i32
        %dma_start3A_140 = tpu.memref_slice %arg10[%dma_start3A_139] : memref<6256xf32, #tpu.memory_space<vmem>> -> memref<6256xf32, #tpu.memory_space<vmem>>
        tpu.enqueue_dma source(%dma_start3A_140 : memref<6256xf32, #tpu.memory_space<vmem>>) target(%dma_start3A_138 : memref<6256xf32, #tpu.memory_space<hbm>>) target_semaphore(%run_scoped3A : memref<!tpu.dma_semaphore, #tpu.memory_space<semaphore_mem>>)
        %dma_wait3A_141 = arith.constant 0 : i32
        %dma_wait3A_142 = tpu.memref_slice %arg10[%dma_wait3A_141] : memref<6256xf32, #tpu.memory_space<vmem>> -> memref<6256xf32, #tpu.memory_space<vmem>>
        %dma_wait3A_143 = tpu.memref_slice %arg7[%multiple_of3A_121] : memref<400000xf32, #tpu.memory_space<hbm>> -> memref<6256xf32, #tpu.memory_space<hbm>>
        %dma_wait3A_144 = tpu.memref_slice %arg7[%multiple_of3A_121] : memref<400000xf32, #tpu.memory_space<hbm>> -> memref<6256xf32, #tpu.memory_space<hbm>>
        %dma_wait3A_145 = arith.constant 0 : i32
        %dma_wait3A_146 = tpu.memref_slice %arg10[%dma_wait3A_145] : memref<6256xf32, #tpu.memory_space<vmem>> -> memref<6256xf32, #tpu.memory_space<vmem>>
        tpu.wait_dma2 semaphore(%run_scoped3A : memref<!tpu.dma_semaphore, #tpu.memory_space<semaphore_mem>>) src(%dma_wait3A_146 : memref<6256xf32, #tpu.memory_space<vmem>>) dst(%dma_wait3A_144 : memref<6256xf32, #tpu.memory_space<hbm>>)
        tpu.yield
      }) : () -> ()
      "tpu.region"() ({
        %run_scoped3A = tpu.sem_alloc : memref<!tpu.dma_semaphore, #tpu.memory_space<semaphore_mem>>
        %dma_start3A_135 = arith.constant 0 : i32
        %dma_start3A_136 = tpu.memref_slice %arg11[%dma_start3A_135] : memref<6256xf32, #tpu.memory_space<vmem>> -> memref<6256xf32, #tpu.memory_space<vmem>>
        %dma_start3A_137 = tpu.memref_slice %arg7[%multiple_of3A_124] : memref<400000xf32, #tpu.memory_space<hbm>> -> memref<6256xf32, #tpu.memory_space<hbm>>
        %dma_start3A_138 = tpu.memref_slice %arg7[%multiple_of3A_124] : memref<400000xf32, #tpu.memory_space<hbm>> -> memref<6256xf32, #tpu.memory_space<hbm>>
        %dma_start3A_139 = arith.constant 0 : i32
        %dma_start3A_140 = tpu.memref_slice %arg11[%dma_start3A_139] : memref<6256xf32, #tpu.memory_space<vmem>> -> memref<6256xf32, #tpu.memory_space<vmem>>
        tpu.enqueue_dma source(%dma_start3A_140 : memref<6256xf32, #tpu.memory_space<vmem>>) target(%dma_start3A_138 : memref<6256xf32, #tpu.memory_space<hbm>>) target_semaphore(%run_scoped3A : memref<!tpu.dma_semaphore, #tpu.memory_space<semaphore_mem>>)
        %dma_wait3A_141 = arith.constant 0 : i32
        %dma_wait3A_142 = tpu.memref_slice %arg11[%dma_wait3A_141] : memref<6256xf32, #tpu.memory_space<vmem>> -> memref<6256xf32, #tpu.memory_space<vmem>>
        %dma_wait3A_143 = tpu.memref_slice %arg7[%multiple_of3A_124] : memref<400000xf32, #tpu.memory_space<hbm>> -> memref<6256xf32, #tpu.memory_space<hbm>>
        %dma_wait3A_144 = tpu.memref_slice %arg7[%multiple_of3A_124] : memref<400000xf32, #tpu.memory_space<hbm>> -> memref<6256xf32, #tpu.memory_space<hbm>>
        %dma_wait3A_145 = arith.constant 0 : i32
        %dma_wait3A_146 = tpu.memref_slice %arg11[%dma_wait3A_145] : memref<6256xf32, #tpu.memory_space<vmem>> -> memref<6256xf32, #tpu.memory_space<vmem>>
        tpu.wait_dma2 semaphore(%run_scoped3A : memref<!tpu.dma_semaphore, #tpu.memory_space<semaphore_mem>>) src(%dma_wait3A_146 : memref<6256xf32, #tpu.memory_space<vmem>>) dst(%dma_wait3A_144 : memref<6256xf32, #tpu.memory_space<hbm>>)
        tpu.yield
      }) : () -> ()
    } else {
    }
    %ge3A_130 = arith.constant 31 : i32
    %ge3A_131 = arith.cmpi sge, %add3A, %ge3A_130 : i32
    %convert_element_type3A_132 = arith.extui %ge3A_131 : i1 to i32
    %cond3A_133 = arith.constant 0 : i32
    %cond3A_134 = arith.cmpi ne, %convert_element_type3A_132, %cond3A_133 : i32
    scf.if %cond3A_134 {
      "tpu.region"() ({
        %run_scoped3A = tpu.sem_alloc : memref<!tpu.dma_semaphore, #tpu.memory_space<semaphore_mem>>
        %dma_start3A_135 = arith.constant 0 : i32
        %dma_start3A_136 = tpu.memref_slice %arg10[%dma_start3A_135] : memref<6256xf32, #tpu.memory_space<vmem>> -> memref<6064xf32, #tpu.memory_space<vmem>>
        %dma_start3A_137 = tpu.memref_slice %arg7[%multiple_of3A_121] : memref<400000xf32, #tpu.memory_space<hbm>> -> memref<6064xf32, #tpu.memory_space<hbm>>
        %dma_start3A_138 = tpu.memref_slice %arg7[%multiple_of3A_121] : memref<400000xf32, #tpu.memory_space<hbm>> -> memref<6064xf32, #tpu.memory_space<hbm>>
        %dma_start3A_139 = arith.constant 0 : i32
        %dma_start3A_140 = tpu.memref_slice %arg10[%dma_start3A_139] : memref<6256xf32, #tpu.memory_space<vmem>> -> memref<6064xf32, #tpu.memory_space<vmem>>
        tpu.enqueue_dma source(%dma_start3A_140 : memref<6064xf32, #tpu.memory_space<vmem>>) target(%dma_start3A_138 : memref<6064xf32, #tpu.memory_space<hbm>>) target_semaphore(%run_scoped3A : memref<!tpu.dma_semaphore, #tpu.memory_space<semaphore_mem>>)
        %dma_wait3A_141 = arith.constant 0 : i32
        %dma_wait3A_142 = tpu.memref_slice %arg10[%dma_wait3A_141] : memref<6256xf32, #tpu.memory_space<vmem>> -> memref<6064xf32, #tpu.memory_space<vmem>>
        %dma_wait3A_143 = tpu.memref_slice %arg7[%multiple_of3A_121] : memref<400000xf32, #tpu.memory_space<hbm>> -> memref<6064xf32, #tpu.memory_space<hbm>>
        %dma_wait3A_144 = tpu.memref_slice %arg7[%multiple_of3A_121] : memref<400000xf32, #tpu.memory_space<hbm>> -> memref<6064xf32, #tpu.memory_space<hbm>>
        %dma_wait3A_145 = arith.constant 0 : i32
        %dma_wait3A_146 = tpu.memref_slice %arg10[%dma_wait3A_145] : memref<6256xf32, #tpu.memory_space<vmem>> -> memref<6064xf32, #tpu.memory_space<vmem>>
        tpu.wait_dma2 semaphore(%run_scoped3A : memref<!tpu.dma_semaphore, #tpu.memory_space<semaphore_mem>>) src(%dma_wait3A_146 : memref<6064xf32, #tpu.memory_space<vmem>>) dst(%dma_wait3A_144 : memref<6064xf32, #tpu.memory_space<hbm>>)
        tpu.yield
      }) : () -> ()
      "tpu.region"() ({
        %run_scoped3A = tpu.sem_alloc : memref<!tpu.dma_semaphore, #tpu.memory_space<semaphore_mem>>
        %dma_start3A_135 = arith.constant 0 : i32
        %dma_start3A_136 = tpu.memref_slice %arg11[%dma_start3A_135] : memref<6256xf32, #tpu.memory_space<vmem>> -> memref<6064xf32, #tpu.memory_space<vmem>>
        %dma_start3A_137 = tpu.memref_slice %arg7[%multiple_of3A_124] : memref<400000xf32, #tpu.memory_space<hbm>> -> memref<6064xf32, #tpu.memory_space<hbm>>
        %dma_start3A_138 = tpu.memref_slice %arg7[%multiple_of3A_124] : memref<400000xf32, #tpu.memory_space<hbm>> -> memref<6064xf32, #tpu.memory_space<hbm>>
        %dma_start3A_139 = arith.constant 0 : i32
        %dma_start3A_140 = tpu.memref_slice %arg11[%dma_start3A_139] : memref<6256xf32, #tpu.memory_space<vmem>> -> memref<6064xf32, #tpu.memory_space<vmem>>
        tpu.enqueue_dma source(%dma_start3A_140 : memref<6064xf32, #tpu.memory_space<vmem>>) target(%dma_start3A_138 : memref<6064xf32, #tpu.memory_space<hbm>>) target_semaphore(%run_scoped3A : memref<!tpu.dma_semaphore, #tpu.memory_space<semaphore_mem>>)
        %dma_wait3A_141 = arith.constant 0 : i32
        %dma_wait3A_142 = tpu.memref_slice %arg11[%dma_wait3A_141] : memref<6256xf32, #tpu.memory_space<vmem>> -> memref<6064xf32, #tpu.memory_space<vmem>>
        %dma_wait3A_143 = tpu.memref_slice %arg7[%multiple_of3A_124] : memref<400000xf32, #tpu.memory_space<hbm>> -> memref<6064xf32, #tpu.memory_space<hbm>>
        %dma_wait3A_144 = tpu.memref_slice %arg7[%multiple_of3A_124] : memref<400000xf32, #tpu.memory_space<hbm>> -> memref<6064xf32, #tpu.memory_space<hbm>>
        %dma_wait3A_145 = arith.constant 0 : i32
        %dma_wait3A_146 = tpu.memref_slice %arg11[%dma_wait3A_145] : memref<6256xf32, #tpu.memory_space<vmem>> -> memref<6064xf32, #tpu.memory_space<vmem>>
        tpu.wait_dma2 semaphore(%run_scoped3A : memref<!tpu.dma_semaphore, #tpu.memory_space<semaphore_mem>>) src(%dma_wait3A_146 : memref<6064xf32, #tpu.memory_space<vmem>>) dst(%dma_wait3A_144 : memref<6064xf32, #tpu.memory_space<hbm>>)
        tpu.yield
      }) : () -> ()
    } else {
    }
    return
  }
}

</mosaic_0001>

<sc_bundles>
// kernel: kernel.3.cloned.1.call-start
scs
__scs_entry_jumppad:
0x0: {  	(pc) =	sbr.rel $0x88, $3  }
0x1: {  	(tag) =	ssettag $0x0;
	lr =	simm.s32 $0x1  }
0x2: {  	[smem:$0x3F9C] =	sst lr;
	_ =	strace $0xD0000000  }
0x3: {  	_ = 	snop  }
0x4: {  	_ = 	snop  }
0x5: {  	_ = 	snop  }
0x6: {  	_ = 	snop  }
0x7: {  	_ = 	snop  }
__scs_overlays_trampoline_lowered:
0x8: {  	[smem:$0x3FAB] =	sst s0  }
0x9: {  	[smem:$0x3FAC] =	sst s1  }
0xa: {  	[smem:$0x3FAD] =	sst s2  }
0xb: {  	[smem:$0x3FAE] =	sst s3  }
0xc: {  	[smem:$0x3FAF] =	sst s4  }
0xd: {  	[smem:$0x3FB0] =	sst s5  }
0xe: {  	[smem:$0x3FB1] =	sst s6  }
0xf: {  	[smem:$0x3FB2] =	sst s7  }
0x10: {  	[smem:$0x3FB3] =	sst s8  }
0x11: {  	[smem:$0x3FB4] =	sst s9;
	s0 =	simm.s32 @!p0 $0x0  }
0x12: {  	s1 =	sld [smem:$0x3F9A];
	s0 =	simm.s32 @p0 $0x1  }
0x13: {  	[smem:$0x3FB5] =	sst s0;
	s0 =	simm.s32 @!p1 $0x0  }
0x14: {  	s2 =	sld [smem:$0x3F99];
	s0 =	simm.s32 @p1 $0x1  }
0x15: {  	[smem:$0x3FB6] =	sst s0;
	s0 =	simm.s32 @!p2 $0x0  }
0x16: {  	s3 =	sld [smem:$0x3FDB];
	s0 =	simm.s32 @p2 $0x1  }
0x17: {  	s4 =	simm.s32 $0x1BF5;
	[smem:$0x3FB8] =	sst s0  }
0x18: {  	s0 =	sld [smem:$0x3F9B];
	_ =	swait.ge [sflag:s4], $0x0  }
0x19: {  	s7 =	sld [smem:$0x3F9C]  }
0x1a: {  	s8 =	sadd.s32 $0xFFFFE003, lr  }
0x1b: {  	s9 =	sadd.s32 $0xFFFFFEF7, lr;
	s5 =	simm.s32 $0xFFFFFFFF;
	p2 =	slt.u32 s8, $0xFFFFF086  }
0x1c: {  	p1 =	slt.u32 s9, $0xF7A;
	s5 =	simm.s32 @!p2 $0x0  }
0x1d: {  	s5 =	simm.s32 @p1 $0x1;
	p0 =	seq.s32 s7, s2  }
0x1e: {  	s7 =	smul.u32 @!p0 $0xF7A, s2;
	p2 =	seq.s32 @!p0 s5, $0x0  }
0x1f: {  	s9 =	smul.u32 $0xF7A, s1;
	s8 =	simm.s32 @!p0 $0x1BF5;
	p2 =	por !p2, p0  }
0x20: {  	[sflag:s8] =	ssyncset.s32 @!p0 $0xFFFFF086;
	s6 =	sadd.s32 @!p0 s3, s7;
	s7 =	simm.s32 @!p0 $0x108  }
0x21: {  	s3 =	sadd.s32 s3, s9;
	s6 =	sadd.s32 @!p0 $0x88, s6;
	s7 =	simm.s32 @p2 $0x1082  }
0x22: {  	[simem:s7], [sflag:s8] =	dma.local @!p0 [hbm:s6], $0xF7A  }
0x23: {  	s9 =	sor.u32 $0xD0000000, s2;
	s6 =	simm.s32 $0x108;
	_ =	swait.ge @!p0 [sflag:s8], $0x0  }
0x24: {  	s3 =	sadd.s32 $0x88, s3;
	s6 =	simm.s32 @!p1 $0x1082;
	[sflag:s4] =	ssyncset.s32 $0xFFFFF086  }
0x25: {  	[simem:s6], [sflag:s4] =	dma.local [hbm:s3], $0xF7A  }
0x26: {  	[smem:$0x3F9C] =	sst s1;
	(tag) =	ssettag s2;
	_ =	strace s9  }
0x27: {  	s1 =	sld [smem:$0x3FAC]  }
0x28: {  	s2 =	sld [smem:$0x3FAD]  }
0x29: {  	s4 =	sld [smem:$0x3FAF]  }
0x2a: {  	p0 =	seq.s32 s5, $0x0;
	s5 =	sld [smem:$0x3FB0]  }
0x2b: {  	s6 =	sld [smem:$0x3FB1]  }
0x2c: {  	s7 =	sld [smem:$0x3FB2]  }
0x2d: {  	s3 =	simm.s32 $0x108;
	s8 =	sld [smem:$0x3FB3]  }
0x2e: {  	s3 =	simm.s32 @!p0 $0x1082;
	s9 =	sld [smem:$0x3FB4]  }
0x2f: {  	lr =	sadd.s32 s0, s3;
	s0 =	sld [smem:$0x3FAB]  }
0x30: {  	s3 =	sld [smem:$0x3FAE]  }
0x31: {  	[smem:$0x3FB7] =	sst s10  }
0x32: {  	s10 =	sld [smem:$0x3FB5];
	_ =	sdelay $0x3  }
0x33: {  	p0 =	seq.s32 s10, $0x1;
	s10 =	sld [smem:$0x3FB7];
	_ =	sdelay $0x3  }
0x34: {  	[smem:$0x3FB7] =	sst s10  }
0x35: {  	s10 =	sld [smem:$0x3FB6];
	_ =	sdelay $0x3  }
0x36: {  	p1 =	seq.s32 s10, $0x1;
	s10 =	sld [smem:$0x3FB7];
	_ =	sdelay $0x3  }
0x37: {  	[smem:$0x3FB7] =	sst s10  }
0x38: {  	s10 =	sld [smem:$0x3FB8]  }
0x39: {  	_ = 	snop;
	(pc) =	sbr.ind lr, $3  }
0x3a: {  	_ = 	snop  }
0x3b: {  	_ = 	snop  }
0x3c: {  	p2 =	seq.s32 s10, $0x1;
	s10 =	sld [smem:$0x3FB7]  }
0x3d: {  	_ =	shalt  }
0x3e: {  	_ =	shalt  }
0x3f: {  	_ =	shalt  }
0x40: {  	_ =	shalt  }
0x41: {  	_ =	shalt  }
0x42: {  	_ =	shalt  }
0x43: {  	_ =	shalt  }
0x44: {  	_ =	shalt  }
0x45: {  	_ =	shalt  }
0x46: {  	_ =	shalt  }
0x47: {  	_ =	shalt  }
0x48: {  	_ =	shalt  }
0x49: {  	_ =	shalt  }
0x4a: {  	_ =	shalt  }
0x4b: {  	_ =	shalt  }
0x4c: {  	_ =	shalt  }
0x4d: {  	_ =	shalt  }
0x4e: {  	_ =	shalt  }
0x4f: {  	_ =	shalt  }
0x50: {  	_ =	shalt  }
0x51: {  	_ =	shalt  }
0x52: {  	_ =	shalt  }
0x53: {  	_ =	shalt  }
0x54: {  	_ =	shalt  }
0x55: {  	_ =	shalt  }
0x56: {  	_ =	shalt  }
0x57: {  	_ =	shalt  }
0x58: {  	_ =	shalt  }
0x59: {  	_ =	shalt  }
0x5a: {  	_ =	shalt  }
0x5b: {  	_ =	shalt  }
0x5c: {  	_ =	shalt  }
0x5d: {  	_ =	shalt  }
0x5e: {  	_ =	shalt  }
0x5f: {  	_ =	shalt  }
0x60: {  	_ =	shalt  }
0x61: {  	_ =	shalt  }
0x62: {  	_ =	shalt  }
0x63: {  	_ =	shalt  }
0x64: {  	_ =	shalt  }
0x65: {  	_ =	shalt  }
0x66: {  	_ =	shalt  }
0x67: {  	_ =	shalt  }
0x68: {  	_ =	shalt  }
0x69: {  	_ =	shalt  }
0x6a: {  	_ =	shalt  }
0x6b: {  	_ =	shalt  }
0x6c: {  	_ =	shalt  }
0x6d: {  	_ =	shalt  }
0x6e: {  	_ =	shalt  }
0x6f: {  	_ =	shalt  }
0x70: {  	_ =	shalt  }
0x71: {  	_ =	shalt  }
0x72: {  	_ =	shalt  }
0x73: {  	_ =	shalt  }
0x74: {  	_ =	shalt  }
0x75: {  	_ =	shalt  }
0x76: {  	_ =	shalt  }
0x77: {  	_ =	shalt  }
0x78: {  	_ =	shalt  }
0x79: {  	_ =	shalt  }
0x7a: {  	_ =	shalt  }
0x7b: {  	_ =	shalt  }
0x7c: {  	_ =	shalt  }
0x7d: {  	_ =	shalt  }
0x7e: {  	_ =	shalt  }
0x7f: {  	_ =	shalt  }
0x80: {  	_ =	shalt  }
0x81: {  	_ =	shalt  }
0x82: {  	_ =	shalt  }
0x83: {  	_ =	shalt  }
0x84: {  	_ =	shalt  }
0x85: {  	_ =	shalt  }
0x86: {  	_ =	shalt  }
0x87: {  	_ =	shalt  }
.Lfunc_end0:
.L_simem_size_0:
called_computation_lowered:
.L_overlay_start_0:
0x88: {  	s2 =	sld [smem:$0x3FD9]  }
0x89: {  	s3 =	sld [smem:$0x3FFE];
	_ =	sdelay $0x1  }
0x8a: {  	s1 =	srdreg.scid  }
0x8b: {  	s0 =	sand.u32 $0x1, s1  }
0x8c: {  	s17 =	sshll.u32 s0, $0xA;
	s2 =	sadd.s32 s3, s2  }
0x8d: {  	s2 =	sadd.s32 s2, s17  }
0x8e: {  	[smem:$0x3FC3] =	sst s2  }
0x8f: {  	_ = 	snop  }
0x90: {  	s2 =	sld [smem:$0x3FC9]  }
0x91: {  	s18 =	sld [smem:$0x3FC7]  }
0x92: {  	s4 =	sld [smem:$0x3FC5]  }
0x93: {  	s5 =	sld [smem:$0x3FD0];
	(tm) =	ssettm $0x1  }
0x94: {  	s6 =	sld [smem:$0x3FFB];
	_ =	sdelay $0x3  }
0x95: {  	_ =	strace s6  }
0x96: {  	s6 =	sld [smem:$0x3FFC];
	_ =	sdelay $0x3  }
0x97: {  	_ =	strace s6  }
0x98: {  	s6 =	sld [smem:$0x3FFD];
	_ =	sdelay $0x3  }
0x99: {  	_ =	strace s6  }
0x9a: {  	_ =	strace $0x8FFFFFFF  }
0x9b: {  	s19 =	sld [smem:$0x3FDB];
	_ =	sdelay $0x1  }
0x9c: {  	s7 =	simm.s32 $_scs_section_size  }
0x9d: {  	s8 =	simm.s32 $_size__tile_overlayer_lowered;
	s9 =	simm.s32 $_tile_overlayer_lowered  }
0x9e: {  	s22 =	simm.s32 $0x1BFF;
	s21 =	sshll.u32 s9, $0x1;
	s6 =	sadd.s32 s7, s19  }
0x9f: {  	s10 =	simm.s32 $0x0;
	s20 =	sshll.u32 s8, $0x1;
	s8 =	sadd.s32 s21, s6  }
0xa0: {  	[timem:s10], [sflag:s22] =	dma.local [hbm:s8], s20  }
0xa1: {  	_ =	swait.ge [sflag:s22], s20  }
0xa2: {  	s7 =	ssub.s32 $0x0, s20;
	[sflag:s22] =	ssyncset.done $0x0  }
0xa3: {  	[sflag:s22] =	ssyncadd.s32 s7;
	_ =	sdelay $0x1  }
0xa4: {  	s23 =	simm.s32 $0x1B8B  }
0xa5: {  	_ =	swait.ge [sflag:s23], $0x1  }
0xa6: {  	[sflag:s23] =	ssyncset.done $0x0  }
0xa7: {  	s25 =	simm.s32 $0x1B8E;
	s24 =	sld [smem:$0x3FFE];
	[sflag:s23] =	ssyncadd.s32 $0xFFFFFFFF  }
0xa8: {  	s26 =	simm.s32 $execute0_lowered;
	[smem:$0x3FD2] =	sst s25  }
0xa9: {  	s8 =	sshll.u32 s26, $0x1;
	_ =	strace $0x80000046;
	[dreg:$0x1] =	wrdreg $0xFFFFFFFF  }
0xaa: {  	s28 =	simm.s32 $_size_execute0_lowered;
	s6 =	sadd.s32 s6, s8;
	[dreg:$0x0] =	wrdreg $0x0  }
0xab: {  	s8 =	sshll.u32 s28, $0x1;
	[dreg:$0x2] =	wrdreg s6  }
0xac: {  	[dreg:$0x3] =	wrdreg s8  }
0xad: {  	[dreg:$0x4] =	wrdreg $0xC0  }
0xae: {  	_ =	task [dreg:s10], $0x5FFFF  }
0xaf: {  	[dreg:$0x1] =	wrdreg $0xFFFFFFFF  }
0xb0: {  	[dreg:$0x0] =	wrdreg $0x60  }
0xb1: {  	[dreg:$0x2] =	wrdreg s2  }
0xb2: {  	[dreg:$0x3] =	wrdreg s18  }
0xb3: {  	[dreg:$0x4] =	wrdreg s4  }
0xb4: {  	[dreg:$0x5] =	wrdreg s24  }
0xb5: {  	[dreg:$0x6] =	wrdreg s5  }
0xb6: {  	[dreg:$0x7] =	wrdreg $0x9  }
0xb7: {  	_ =	task.clear_ibuf [dreg:s10], $0x8FFFF;
	_ =	strace $0x90000046  }
0xb8: {  	s29 =	simm.s32 $0x9;
	_ =	strace $0x80000048  }
0xb9: {  	_ =	swait.ge [sflag:s29], $0x1  }
0xba: {  	[sflag:s29] =	ssyncadd.s32 $0xFFFFFFFF  }
0xbb: {  	_ =	strace $0x90000048  }
0xbc: {  	_ =	sfence  }
0xbd: {  	s30 =	sld [smem:$0x0];
	_ =	sdelay $0x2  }
0xbe: {  	s31 =	sshll.u32 s1, $0xD;
	s1 =	sshrl.u32 s1, $0x2  }
0xbf: {  	s3 =	sand.u32 $0x4000, s31;
	s1 =	sadd.s32 s1, s30  }
0xc0: {  	s0 =	sor.u32 s3, s0;
	s1 =	sshll.u32 s1, $0x11  }
0xc1: {  	s0 =	sor.u32 s1, s0  }
0xc2: {  	s0 =	sadd.s32 $0x8F2B, s0  }
0xc3: {  	[sflag:s0] =	ssyncadd.remote.s32 $0x1  }
0xc4: {  	_ =	sfence.sel $0xFFFF  }
0xc5: {  	[dreg:$0x0] =	wrdreg $0xFFFFFFFF;
	(pc) =	sbr.abs _section_cstart, $3  }
0xc6: {  	[dreg:$0x1] =	wrdreg $0xFFFFFFFF  }
0xc7: {  	_ =	task.clear_ibuf [dreg:s10], $0x2FFFF;
	_ =	strace $0x9FFFFFFF  }
0xc8: {  	(tm) =	ssettm $0x7FFFFFFF  }
0xc9: {  	_ =	shalt  }
tec
execute0_lowered:
.L_overlay_start_1:
0x0: {  	(tag) =	ssettag $0x1  }
0x1: {  	s0 =	rddreg [dreg:$0x0]  }
0x2: {  	s1 =	rddreg [dreg:$0x3];
	s2 =	srdreg.scid  }
0x3: {  	s6 =	stileid.u32;
	s3 =	rddreg [dreg:$0x4]  }
0x4: {  	s4 =	simm.s32 $0x0;
	s30 =	simm.s32 $0x3;
	s31 =	simm.s32 $0x2  }
0x5: {  	s2 =	sand.u32 $0x1, s2;
	s5 =	sshll.u32 s6, $0x1;
	[smem:$0x7FF] =	sst s4  }
0x6: {  	s25 =	sadd.s32 $0x600, s1;
	s1 =	sadd.s32 $0x800, s1;
	s18 =	sadd.s32 $0x5EB2, s3  }
0x7: {  	s19 =	smul.u32 $0xC380, s6;
	_ =	strace $0x80000047;
	[dreg:$0x6] =	wrdreg s25  }
0x8: {  	s10 =	sor.u32 s2, s5;
	[dreg:$0x7] =	wrdreg s1;
	s15 =	smul.u32 $0x1870, s2  }
0x9: {  	s7 =	ssub.s32 $0x2, s2;
	[dreg:$0xb] =	wrdreg s18;
	s9 =	smul.u32 $0x1870, s10  }
0xa: {  	s2 =	smul.u32 $0x61C0, s2;
	s8 =	sshrl.u32 s7, $0x1;
	p0 =	seq.s32 s10, $0x1F  }
0xb: {  	s14 =	ssub.s32 s7, s8;
	s8 =	smul.u32 $0x30E0, s6;
	s26 =	smax.u32 s9, $0x320  }
0xc: {  	s11 =	sadd.s32 $0x30D40, s9;
	s13 =	sshrl.u32 s9, $0x3;
	s1 =	smin.u32 s26, $0x2F1B0  }
0xd: {  	s12 =	smin.u32 s11, $0x60210;
	s11 =	sshrl.u32 s11, $0x3;
	s16 =	sadd.s32 s3, s13  }
0xe: {  	s13 =	sadd.s32 s15, s8;
	s15 =	smax.u32 s14, $0x1;
	s1 =	sadd.s32 $0xFFFFFCE0, s1  }
0xf: {  	s28 =	sshrl.u32 s12, $0x3;
	[dreg:$0x9] =	wrdreg s16;
	s17 =	sadd.s32 s3, s11  }
0x10: {  	s20 =	smax.u32 s13, $0x320;
	s21 =	sadd.s32 $0x30D40, s13;
	s3 =	sadd.s32 $0xC05A, s3  }
0x11: {  	s7 =	ssub.s32 s9, s1;
	s29 =	sadd.s32 s0, s28;
	[dreg:$0xa] =	wrdreg s17  }
0x12: {  	s1 =	sshrl.u32 s1, $0x3;
	[dreg:$0xc] =	wrdreg s3;
	s22 =	smin.u32 s21, $0x60210  }
0x13: {  	s21 =	sadd.s32 $0x1780, s13;
	[dreg:$0x8] =	wrdreg s29;
	s9 =	sadd.s32 s0, s1  }
0x14: {  	v0 =	vimm.s32 $0xEFCDAB89;
	v1 =	vimm.s32 $0x67452301;
	s1 =	smin.u32 s20, $0x2F1B0;
	s0 =	sadd.s32 s2, s19;
	s3 =	sshll.u32 s22, $0x2  }
0x15: {  	v0 =	vunpack.c.l.s4.s8 v0;
	v1 =	vunpack.c.l.s4.s8 v1;
	s19 =	sadd.s32 $0x1840, s13;
	s23 =	sshll.u32 s1, $0x2;
	s16 =	ssub.s32 s13, s1  }
0x16: {  	s2 =	ssub.s32 s0, s23;
	s0 =	ssub.s32 s0, s3;
	s3 =	simm.s32 $0x1  }
.Ltmp0:
0x17: {  	v0 =	vunpack.c.0.s8.s32 v0;
	v1 =	vunpack.c.0.s8.s32 v1;
	s24 =	sadd.s32 $0xD00, s2;
	s28 =	sadd.s32 $0xC9600, s0;
	(pc) =	sbr.rel .LBB2_1-.Ltmp0, $4  }
0x18: {  	s25 =	sadd.s32 $0xC3580, s0;
	s0 =	sadd.s32 $0xC9300, s0;
	s29 =	sshra.s32 s28, $0x2  }
0x19: {  	v0 =	vcombine.low v1, v0;
	s2 =	simm.s32 $0x0;
	s0 =	sshra.s32 s0, $0x2;
	s1 =	sadd.s32 $0x2500, s29  }
0x1a: {  	s26 =	sshra.s32 s25, $0x2;
	s0 =	sadd.s32 $0x2500, s0;
	[dreg:$0xd] =	wrdreg s1  }
0x1b: {  	v1 =	vlaneseq.u32;
	v0 =	vand.u32 $0xF, v0;
	s17 =	sshra.s32 s24, $0x2;
	s18 =	sadd.s32 $0x2500, s26;
	[dreg:$0xe] =	wrdreg s0  }
.LBB2_16:
0x1c: {  	s2 =	sadd.s32 $0x1, s2  }
0x1d: {  	p1 =	sne.s32 s2, s15  }
.Ltmp1:
0x1e: {  	_ = 	snop;
	(pc) =	sbr.rel @!p1 .LBB2_17-.Ltmp1, $1  }
0x1f: {  	_ =	sdelay $0x3  }
.LBB2_1:
0x20: {  	s0 =	rddreg [dreg:$0x8];
	s1 =	simm.s32 $0x2500  }
0x21: {  	[tilespmem:s1], [sflag:$0x1] =	stream.linear.gather [hbm4b:s0+s4], $0x1870, $0x38;
	[tilespmem:$0xA800] =	vst v63  }
0x22: {  	s14 =	rddreg [dreg:$0x1];
	s20 =	simm.s32 $0xA780  }
0x23: {  	[tilespmem:s20], [sflag:$0x2] =	stream.linear.gather [hbm4b:s14+s4], $0x10, $0x38;
	[tilespmem:$0xA800] =	vst v63  }
0x24: {  	s22 =	rddreg [dreg:$0x2];
	s23 =	simm.s32 $0xA790  }
0x25: {  	[tilespmem:s23], [sflag:$0x2] =	stream.linear.gather [hbm4b:s22+s4], $0x10, $0x38;
	[tilespmem:$0xA800] =	vst v63  }
0x26: {  	s24 =	rddreg [dreg:$0x6];
	s25 =	simm.s32 $0xA7A0  }
0x27: {  	[tilespmem:s25], [sflag:$0x2] =	stream.linear.gather [hbm4b:s24+s4], $0x10, $0x38;
	[tilespmem:$0xA800] =	vst v63  }
0x28: {  	s26 =	rddreg [dreg:$0x7];
	s28 =	simm.s32 $0xA7B0  }
0x29: {  	[tilespmem:s28], [sflag:$0x2] =	stream.linear.gather [hbm4b:s26+s4], $0x10, $0x38;
	[tilespmem:$0xA800] =	vst v63  }
0x2a: {  	s29 =	simm.s32 $0x320  }
0x2b: {  	[tilespmem:s29], [sflag:$0x3] =	stream.linear.gather [hbm4b:s9+s4], $0x1EB0, $0x38;
	[tilespmem:$0xA800] =	vst v63  }
0x2c: {  	_ =	swait.ge [sflag:s30], $0x1EB0  }
0x2d: {  	[sflag:s30] =	ssyncset.done $0x0  }
0x2e: {  	[sflag:s30] =	ssyncadd.s32 $0xFFFFE150  }
0x2f: {  	_ =	swait.ge [sflag:s31], $0x10  }
0x30: {  	[sflag:s31] =	ssyncset.done $0x0  }
0x31: {  	[sflag:s31] =	ssyncadd.s32 $0xFFFFFFF0  }
0x32: {  	_ =	swait.ge [sflag:s31], $0x10  }
0x33: {  	[sflag:s31] =	ssyncset.done $0x0  }
0x34: {  	[sflag:s31] =	ssyncadd.s32 $0xFFFFFFF0  }
0x35: {  	_ =	swait.ge [sflag:s31], $0x10  }
0x36: {  	[sflag:s31] =	ssyncset.done $0x0  }
0x37: {  	[sflag:s31] =	ssyncadd.s32 $0xFFFFFFF0  }
0x38: {  	_ =	swait.ge [sflag:s31], $0x10  }
0x39: {  	[sflag:s31] =	ssyncset.done $0x0  }
0x3a: {  	[sflag:s31] =	ssyncadd.s32 $0xFFFFFFF0  }
0x3b: {  	v2 =	vld [tilespmem:$0xA7B0];
	_ =	sdelay $0x4  }
0x3c: {  	v3 =	vshra.s32 v2, $0x1;
	v2 =	vmul.f32 $5.000000000e-01, v2  }
0x3d: {  	v3 =	vsub.s32 $0x5F3759DF, v3  }
0x3e: {  	v4 =	vmul.f32 v3, v2;
	_ =	sdelay $0x1  }
0x3f: {  	v4 =	vmul.f32 v3, v4;
	_ =	sdelay $0x1  }
0x40: {  	v4 =	vsub.f32 $1.500000000e+00, v4;
	_ =	sdelay $0x1  }
0x41: {  	v3 =	vmul.f32 v3, v4;
	_ =	sdelay $0x1  }
0x42: {  	v4 =	vmul.f32 v3, v2;
	_ =	sdelay $0x1  }
0x43: {  	v4 =	vmul.f32 v4, v3;
	_ =	sdelay $0x1  }
0x44: {  	v4 =	vsub.f32 $1.500000000e+00, v4;
	_ =	sdelay $0x1  }
0x45: {  	v3 =	vmul.f32 v4, v3;
	_ =	sdelay $0x1  }
0x46: {  	v2 =	vmul.f32 v3, v2;
	_ =	sdelay $0x1  }
0x47: {  	v2 =	vmul.f32 v2, v3;
	_ =	sdelay $0x1  }
0x48: {  	v5 =	vld [tilespmem:$0xA790];
	v2 =	vsub.f32 $1.500000000e+00, v2  }
0x49: {  	v4 =	vld [tilespmem:$0xA780]  }
.Ltmp2:
0x4a: {  	v3 =	vmul.f32 v2, v3;
	v2 =	vld [tilespmem:$0xA7A0];
	(pc) =	sbr.rel @!p0 .LBB2_2-.Ltmp2, $2  }
0x4b: {  	_ =	sdelay $0x2  }
0x4c: {  	s23 =	simm.s32 $0x8BA0;
	s24 =	simm.s32 $0x6FA0;
	v5 =	vmul.f32 v5, v4;
	v3 =	vmul.f32 v3, v3  }
0x4d: {  	v6 =	vld [tilespmem:s17+$0x0]  }
0x4e: {  	v7 =	vld [tilespmem:s17+$0x320];
	_ =	sdelay $0x1  }
0x4f: {  	s0 =	sadd.s32 $0xFFFFFFC0, s16  }
0x50: {  	v10 =	vld [tilespmem:s17+$0x300];
	s1 =	sadd.s32 $0x380, s0  }
0x51: {  	v14 =	vld [tilespmem:s17+$0x10];
	s1 =	sor.u32 $0x2, s1  }
0x52: {  	v8 =	vld [tilespmem:s1+$0x0];
	v12 =	vsub.f32 v7, v6  }
0x53: {  	v15 =	vld [tilespmem:s17+$0xFFFFFFE0];
	s29 =	sadd.s32 $0x360, s0  }
0x54: {  	v17 =	vld [tilespmem:s17+$0xFFFFFFF0];
	s1 =	sor.u32 $0x2, s29;
	v9 =	vmul.f32 v12, v12  }
0x55: {  	s5 =	sadd.s32 $0x390, s0;
	v13 =	vld [tilespmem:s1+$0x0]  }
0x56: {  	s5 =	sor.u32 $0x2, s5;
	v7 =	vld [tilespmem:s17+$0x330];
	v11 =	vperm.xlane v9, v0  }
0x57: {  	v16 =	vld [tilespmem:s5+$0x0];
	v6 =	vsub.f32 v8, v6  }
0x58: {  	v19 =	vld [tilespmem:s17+$0x310];
	v9 =	vadd.f32 v11, v9  }
0x59: {  	s0 =	sadd.s32 $0x370, s0;
	v18 =	vmul.f32 v6, v6  }
0x5a: {  	s0 =	sor.u32 $0x2, s0;
	v13 =	vsub.f32 v13, v15;
	v8 =	vshra.s32 v9, $0x1;
	v9 =	vmul.f32 $5.000000000e-01, v9  }
0x5b: {  	v21 =	vld [tilespmem:s0+$0x0];
	v11 =	vsub.f32 v7, v14;
	v22 =	vperm.xlane v18, v0;
	v20 =	vsub.s32 $0x5F3759DF, v8  }
0x5c: {  	v8 =	vsub.f32 v16, v14;
	v16 =	vmul.f32 v13, v13;
	v7 =	vmul.f32 v20, v9  }
0x5d: {  	v9 =	vsub.f32 v10, v15;
	v15 =	vmul.f32 v11, v11;
	v10 =	vsub.f32 v19, v17  }
0x5e: {  	v14 =	vadd.f32 v22, v18;
	v23 =	vmul.f32 v8, v8;
	v7 =	vmul.f32 v20, v7  }
0x5f: {  	v18 =	vperm.xlane v15, v0;
	v22 =	vmul.f32 v10, v10  }
0x60: {  	v19 =	vsub.f32 $1.500000000e+00, v7;
	v7 =	vsub.f32 v21, v17;
	v17 =	vmul.f32 $5.000000000e-01, v14  }
0x61: {  	v21 =	vperm.xlane v16, v0;
	v14 =	vshra.s32 v14, $0x1;
	v24 =	vperm.xlane v22, v0  }
0x62: {  	v14 =	vsub.s32 $0x5F3759DF, v14;
	v19 =	vmul.f32 v20, v19;
	v20 =	vmul.f32 v9, v9  }
0x63: {  	v21 =	vadd.f32 v21, v16;
	v27 =	vmul.f32 v7, v7;
	v16 =	vmul.f32 v14, v17  }
0x64: {  	v17 =	vperm.xlane v23, v0;
	v19 =	vmul.f32 v19, v5  }
0x65: {  	v26 =	vadd.f32 v18, v15;
	v18 =	vadd.f32 v24, v22;
	v25 =	vperm.xlane v20, v0  }
0x66: {  	v22 =	vperm.xlane v27, v0;
	v17 =	vadd.f32 v17, v23;
	v15 =	vsub.f32 v4, v19  }
0x67: {  	v24 =	vmul.f32 $5.000000000e-01, v21;
	v28 =	vmul.f32 $5.000000000e-01, v18;
	v19 =	vadd.f32 v25, v20  }
0x68: {  	v23 =	vshra.s32 v17, $0x1;
	v22 =	vadd.f32 v22, v27;
	v12 =	vmul.f32 v15, v12  }
0x69: {  	v15 =	vshra.s32 v18, $0x1;
	v25 =	vshra.s32 v19, $0x1;
	v18 =	vshra.s32 v21, $0x1  }
0x6a: {  	v21 =	vmul.f32 $5.000000000e-01, v17;
	v15 =	vsub.s32 $0x5F3759DF, v15;
	v20 =	vsub.s32 $0x5F3759DF, v18  }
0x6b: {  	v18 =	vsub.s32 $0x5F3759DF, v25;
	v25 =	vmul.f32 $5.000000000e-01, v19;
	v24 =	vmul.f32 v20, v24  }
0x6c: {  	s10 =	sadd.s32 $0x40, s17;
	v17 =	vshra.s32 v26, $0x1;
	v26 =	vmul.f32 $5.000000000e-01, v26;
	v19 =	vmul.f32 v15, v28  }
0x6d: {  	s11 =	simm.s32 $0x8BE0;
	s0 =	simm.s32 $0x6FA0;
	s1 =	simm.s32 $0x0;
	v17 =	vsub.s32 $0x5F3759DF, v17;
	v25 =	vmul.f32 v18, v25;
	v24 =	vmul.f32 v20, v24  }
.LBB2_10:
0x6e: {  	s5 =	sadd.s32 s1, s16;
	v27 =	vld [tilespmem:s10+$0x0];
	s1 =	sadd.s32 $0x40, s1;
	v23 =	vsub.s32 $0x5F3759DF, v23;
	v26 =	vmul.f32 v17, v26;
	s24 =	sadd.s32 $0x40, s24  }
0x6f: {  	s6 =	sadd.s32 $0x360, s5;
	s8 =	sadd.s32 $0x370, s5;
	s12 =	sadd.s32 $0x380, s5;
	v28 =	vld [tilespmem:s10+$0x330];
	v24 =	vsub.f32 $1.500000000e+00, v24;
	v25 =	vmul.f32 v18, v25;
	v21 =	vmul.f32 v23, v21  }
0x70: {  	v16 =	vmul.f32 v14, v16;
	s6 =	sor.u32 $0x2, s6;
	v29 =	vld [tilespmem:s10+$0x300];
	s8 =	sor.u32 $0x2, s8;
	s12 =	sor.u32 $0x2, s12;
	v26 =	vmul.f32 v17, v26  }
0x71: {  	s5 =	sadd.s32 $0x390, s5;
	p1 =	slt.u32 s1, $0x1A80;
	v30 =	vld [tilespmem:s10+$0x320];
	v20 =	vmul.f32 v20, v24;
	v24 =	vsub.f32 $1.500000000e+00, v25;
	v21 =	vmul.f32 v23, v21  }
0x72: {  	v31 =	vshra.s32 v22, $0x1;
	v22 =	vmul.f32 $5.000000000e-01, v22;
	s5 =	sor.u32 $0x2, s5;
	v25 =	vld [tilespmem:s10+$0x10];
	v26 =	vsub.f32 $1.500000000e+00, v26  }
0x73: {  	v31 =	vsub.s32 $0x5F3759DF, v31;
	v16 =	vsub.f32 $1.500000000e+00, v16;
	v32 =	vld [tilespmem:s10+$0xFFFFFFE0];
	v20 =	vmul.f32 v20, v5  }
0x74: {  	v22 =	vmul.f32 v31, v22;
	v18 =	vmul.f32 v18, v24;
	v21 =	vsub.f32 $1.500000000e+00, v21;
	v33 =	vld [tilespmem:s12+$0x0]  }
0x75: {  	v19 =	vmul.f32 v15, v19;
	v14 =	vmul.f32 v14, v16;
	v24 =	vld [tilespmem:s6+$0x0];
	v20 =	vsub.f32 v4, v20  }
0x76: {  	v17 =	vmul.f32 v17, v26;
	v18 =	vmul.f32 v18, v5;
	v30 =	vsub.f32 v30, v27;
	v16 =	vld [tilespmem:s5+$0x0]  }
0x77: {  	v26 =	vld [tilespmem:s8+$0x0];
	v28 =	vsub.f32 v28, v25;
	v13 =	vmul.f32 v20, v13;
	v20 =	vmul.f32 v14, v5  }
0x78: {  	v22 =	vmul.f32 v31, v22;
	v14 =	vsub.f32 v29, v32;
	v29 =	vld [tilespmem:s10+$0xFFFFFFF0];
	v34 =	vmul.f32 v30, v30  }
0x79: {  	v21 =	vmul.f32 v23, v21;
	v27 =	vsub.f32 v33, v27;
	v33 =	vmul.f32 v28, v28;
	[tilespmem:s0+$0xFFFFFFE0] =	vst v13  }
0x7a: {  	v18 =	vsub.f32 v4, v18;
	v13 =	vsub.f32 v24, v32;
	v23 =	vperm.xlane v34, v0  }
0x7b: {  	v22 =	vsub.f32 $1.500000000e+00, v22;
	v24 =	vmul.f32 v27, v27;
	v16 =	vsub.f32 v16, v25  }
0x7c: {  	v18 =	vmul.f32 v18, v9;
	v9 =	vmovc v14;
	v25 =	vmul.f32 v13, v13;
	v23 =	vadd.f32 v23, v34  }
0x7d: {  	v21 =	vmul.f32 v21, v5;
	v32 =	vld [tilespmem:s10+$0x310];
	v26 =	vsub.f32 v26, v29;
	v34 =	vperm.xlane v24, v0  }
0x7e: {  	v17 =	vmul.f32 v17, v5;
	v35 =	vshra.s32 v23, $0x1;
	v23 =	vmul.f32 $5.000000000e-01, v23;
	[tilespmem:s23+$0xFFFFFFE0] =	vst v18  }
0x7f: {  	v19 =	vsub.f32 $1.500000000e+00, v19;
	v18 =	vadd.f32 v34, v24;
	v24 =	vsub.s32 $0x5F3759DF, v35  }
0x80: {  	v17 =	vsub.f32 v4, v17;
	v34 =	vperm.xlane v33, v0;
	v23 =	vmul.f32 v24, v23  }
0x81: {  	v22 =	vmul.f32 v31, v22;
	v35 =	vshra.s32 v18, $0x1;
	v18 =	vmul.f32 $5.000000000e-01, v18  }
0x82: {  	v15 =	vmul.f32 v15, v19;
	v29 =	vsub.f32 v32, v29;
	v23 =	vmul.f32 v24, v23  }
0x83: {  	v19 =	vmul.f32 v14, v9;
	v31 =	vmul.f32 v16, v16;
	v14 =	vsub.s32 $0x5F3759DF, v35  }
0x84: {  	v15 =	vmul.f32 v15, v5;
	v32 =	vperm.xlane v25, v0;
	v23 =	vsub.f32 $1.500000000e+00, v23  }
0x85: {  	v20 =	vsub.f32 v4, v20;
	v21 =	vsub.f32 v4, v21;
	v35 =	vmul.f32 v29, v29  }
0x86: {  	v22 =	vmul.f32 v22, v5;
	v25 =	vadd.f32 v32, v25;
	v23 =	vmul.f32 v24, v23  }
0x87: {  	v15 =	vsub.f32 v4, v15;
	v21 =	vmul.f32 v21, v8;
	v8 =	vmovc v16;
	v24 =	vperm.xlane v35, v0  }
0x88: {  	v22 =	vsub.f32 v4, v22;
	v20 =	vmul.f32 v20, v6;
	v6 =	vmovc v27;
	v23 =	vmul.f32 v23, v5  }
0x89: {  	v11 =	vmul.f32 v17, v11;
	v27 =	vperm.xlane v19, v0;
	v32 =	vadd.f32 v34, v33;
	[tilespmem:s0+$0x10] =	vst v21  }
0x8a: {  	v16 =	vmul.f32 v14, v18;
	v33 =	vmul.f32 v26, v26;
	v17 =	vsub.f32 v4, v23;
	[tilespmem:s0+$0x0] =	vst v20  }
0x8b: {  	v18 =	vadd.f32 v24, v35;
	v24 =	vmul.f32 v15, v10;
	v20 =	vperm.xlane v31, v0;
	[tilespmem:s23+$0x10] =	vst v11  }
0x8c: {  	v19 =	vadd.f32 v27, v19;
	v27 =	vperm.xlane v33, v0;
	[tilespmem:s23+$0x0] =	vst v12;
	v12 =	vmul.f32 v17, v30  }
0x8d: {  	v10 =	vmovc v29;
	v15 =	vshra.s32 v18, $0x1;
	v11 =	vmovc v28;
	v17 =	vmul.f32 $5.000000000e-01, v25;
	v21 =	vadd.f32 v20, v31  }
0x8e: {  	v22 =	vmul.f32 v22, v7;
	v7 =	vmovc v26;
	v29 =	vmul.f32 $5.000000000e-01, v18;
	v28 =	vshra.s32 v19, $0x1  }
.Ltmp3:
0x8f: {  	v18 =	vshra.s32 v25, $0x1;
	v15 =	vsub.s32 $0x5F3759DF, v15;
	v23 =	vshra.s32 v21, $0x1;
	(pc) =	sbr.rel @p1 .LBB2_10-.Ltmp3, $4  }
0x90: {  	v20 =	vsub.s32 $0x5F3759DF, v18;
	v18 =	vsub.s32 $0x5F3759DF, v28;
	v21 =	vmul.f32 $5.000000000e-01, v21;
	[tilespmem:s0+$0xFFFFFFF0] =	vst v22;
	s0 =	smov.u32 s24  }
0x91: {  	v25 =	vmul.f32 $5.000000000e-01, v19;
	v22 =	vmul.f32 v20, v17;
	v17 =	vshra.s32 v32, $0x1;
	[tilespmem:s23+$0xFFFFFFF0] =	vst v24;
	s23 =	smov.u32 s11  }
0x92: {  	v26 =	vmul.f32 $5.000000000e-01, v32;
	v19 =	vmul.f32 v15, v29;
	v17 =	vsub.s32 $0x5F3759DF, v17  }
0x93: {  	s10 =	sadd.s32 $0x40, s10;
	v25 =	vmul.f32 v18, v25;
	s11 =	sadd.s32 $0x40, s11;
	v24 =	vmul.f32 v20, v22;
	v22 =	vadd.f32 v27, v33  }
0x94: {  	v23 =	vsub.s32 $0x5F3759DF, v23;
	v26 =	vmul.f32 v17, v26;
	v16 =	vmul.f32 v14, v16  }
0x95: {  	v19 =	vmul.f32 v15, v19;
	v24 =	vsub.f32 $1.500000000e+00, v24;
	v25 =	vmul.f32 v18, v25  }
0x96: {  	v21 =	vmul.f32 v23, v21;
	v55 =	vshra.s32 v22, $0x1;
	v22 =	vmul.f32 $5.000000000e-01, v22  }
0x97: {  	v26 =	vmul.f32 v17, v26;
	v20 =	vmul.f32 v20, v24  }
0x98: {  	v54 =	vsub.f32 $1.500000000e+00, v25;
	v21 =	vmul.f32 v23, v21;
	v25 =	vsub.s32 $0x5F3759DF, v55  }
0x99: {  	v16 =	vsub.f32 $1.500000000e+00, v16;
	v22 =	vmul.f32 v25, v22;
	v20 =	vmul.f32 v20, v5  }
0x9a: {  	v19 =	vsub.f32 $1.500000000e+00, v19;
	v18 =	vmul.f32 v18, v54;
	v21 =	vsub.f32 $1.500000000e+00, v21  }
0x9b: {  	v14 =	vmul.f32 v14, v16;
	v16 =	vsub.f32 v4, v20;
	v20 =	vmul.f32 v25, v22  }
0x9c: {  	v56 =	vsub.f32 $1.500000000e+00, v26;
	v21 =	vmul.f32 v23, v21;
	v18 =	vmul.f32 v18, v5  }
0x9d: {  	v14 =	vmul.f32 v14, v5;
	v13 =	vmul.f32 v16, v13;
	v16 =	vsub.f32 $1.500000000e+00, v20  }
0x9e: {  	v17 =	vmul.f32 v17, v56;
	v20 =	vmul.f32 v21, v5;
	v18 =	vsub.f32 v4, v18  }
0x9f: {  	v15 =	vmul.f32 v15, v19;
	v14 =	vsub.f32 v4, v14;
	v16 =	vmul.f32 v25, v16  }
0xa0: {  	v17 =	vmul.f32 v17, v5;
	v20 =	vsub.f32 v4, v20;
	v9 =	vmul.f32 v18, v9  }
0xa1: {  	v6 =	vmul.f32 v14, v6;
	[tilespmem:s0+$0xFFFFFFE0] =	vst v13;
	v16 =	vmul.f32 v16, v5  }
0xa2: {  	v13 =	vsub.f32 v4, v17;
	v8 =	vmul.f32 v20, v8;
	[tilespmem:s23+$0xFFFFFFE0] =	vst v9;
	v9 =	vmul.f32 v15, v5  }
0xa3: {  	[tilespmem:s0+$0x0] =	vst v6;
	v14 =	vsub.f32 v4, v16  }
0xa4: {  	v11 =	vmul.f32 v13, v11;
	[tilespmem:s0+$0x10] =	vst v8;
	v8 =	vsub.f32 v4, v9  }
0xa5: {  	[tilespmem:s23+$0x0] =	vst v12;
	v6 =	vmul.f32 v14, v7  }
0xa6: {  	[tilespmem:s23+$0x10] =	vst v11;
	v7 =	vmul.f32 v8, v10  }
0xa7: {  	[tilespmem:s0+$0xFFFFFFF0] =	vst v6  }
0xa8: {  	[tilespmem:s23+$0xFFFFFFF0] =	vst v7  }
0xa9: {  	v6 =	vld [tilespmem:s7+$0x1AC0]  }
0xaa: {  	v7 =	vld [tilespmem:s7+$0x1AC2]  }
0xab: {  	v8 =	vld [tilespmem:s7+$0x1DE0];
	_ =	sdelay $0x3  }
0xac: {  	v7 =	vsub.f32 v7, v6  }
0xad: {  	v6 =	vsub.f32 v8, v6  }
0xae: {  	v8 =	vmul.f32 v7, v7  }
0xaf: {  	v9 =	vmul.f32 v6, v6  }
0xb0: {  	v10 =	vperm.xlane v8, v0  }
0xb1: {  	v11 =	vperm.xlane v9, v0  }
0xb2: {  	v8 =	vadd.f32 v10, v8  }
0xb3: {  	v9 =	vadd.f32 v11, v9  }
0xb4: {  	v10 =	vshra.s32 v8, $0x1;
	v8 =	vmul.f32 $5.000000000e-01, v8  }
0xb5: {  	v11 =	vshra.s32 v9, $0x1;
	v9 =	vmul.f32 $5.000000000e-01, v9;
	v10 =	vsub.s32 $0x5F3759DF, v10  }
0xb6: {  	v11 =	vsub.s32 $0x5F3759DF, v11;
	v8 =	vmul.f32 v10, v8  }
0xb7: {  	v9 =	vmul.f32 v11, v9  }
0xb8: {  	v8 =	vmul.f32 v10, v8  }
0xb9: {  	v9 =	vmul.f32 v11, v9  }
0xba: {  	v8 =	vsub.f32 $1.500000000e+00, v8  }
0xbb: {  	v9 =	vsub.f32 $1.500000000e+00, v9  }
0xbc: {  	v8 =	vmul.f32 v10, v8  }
0xbd: {  	v9 =	vmul.f32 v11, v9  }
0xbe: {  	v8 =	vmul.f32 v8, v5  }
0xbf: {  	v5 =	vmul.f32 v9, v5  }
0xc0: {  	v8 =	vsub.f32 v4, v8  }
0xc1: {  	v4 =	vsub.f32 v4, v5  }
0xc2: {  	v5 =	vmul.f32 v8, v7  }
0xc3: {  	s1 =	sadd.s32 $0xFFFFFFC0, s13;
	v4 =	vmul.f32 v4, v6  }
0xc4: {  	s26 =	sadd.s32 $0x60, s1;
	[tilespmem:$0x8A40] =	vst v5  }
0xc5: {  	v11 =	vor.u32 s26, v1;
	[tilespmem:$0xA640] =	vst v4  }
0xc6: {  	s24 =	sadd.s32 $0x70, s1;
	v11 =	vshrl.u32 v11, $0x1;
	_ =	swait.ge [sflag:s3], $0x1870  }
0xc7: {  	s5 =	sadd.s32 $0x40, s1;
	s1 =	sadd.s32 $0x50, s1;
	v16 =	vcvt.s32.f32 v11;
	[sflag:s3] =	ssyncset.done $0x0  }
0xc8: {  	s25 =	simm.s32 $0x72D0;
	v13 =	vor.u32 s1, v1;
	v6 =	vor.u32 s5, v1;
	v5 =	vor.u32 s24, v1;
	[sflag:s3] =	ssyncadd.s32 $0xFFFFE790  }
0xc9: {  	s23 =	simm.s32 $0x8ED0;
	v16 =	vadd.f32 $5.000000000e-01, v16;
	v6 =	vshrl.u32 v6, $0x1;
	v5 =	vshrl.u32 v5, $0x1;
	v7 =	vld [tilespmem:s25+$0xFFFFFFDE]  }
0xca: {  	v13 =	vshrl.u32 v13, $0x1;
	v10 =	vcvt.s32.f32 v6;
	v8 =	vcvt.s32.f32 v5;
	v9 =	vld [tilespmem:s23+$0xFFFFFCC0]  }
0xcb: {  	v18 =	vcvt.s32.f32 v13;
	v16 =	vmul.f32 $2.499999940e-03, v16;
	v12 =	vld [tilespmem:s23+$0xFFFFFFE0]  }
0xcc: {  	v10 =	vadd.f32 $5.000000000e-01, v10;
	v8 =	vadd.f32 $5.000000000e-01, v8;
	v14 =	vld [tilespmem:s25+$0xFFFFFFE0]  }
0xcd: {  	v18 =	vadd.f32 $5.000000000e-01, v18;
	v16 =	vtrunc.f32 v16;
	v4 =	vld [tilespmem:s18+$0xFFFFFFF0]  }
0xce: {  	v15 =	vld [tilespmem:s25+$0xFFFFFFD0];
	v10 =	vmul.f32 $2.499999940e-03, v10;
	v8 =	vmul.f32 $2.499999940e-03, v8  }
0xcf: {  	v18 =	vmul.f32 $2.499999940e-03, v18;
	v16 =	vcvt.f32.s32 v16;
	v20 =	vld [tilespmem:s25+$0xFFFFFFCE]  }
0xd0: {  	v19 =	vld [tilespmem:s23+$0xFFFFFCD0];
	v10 =	vtrunc.f32 v10;
	v8 =	vtrunc.f32 v8  }
0xd1: {  	v22 =	vld [tilespmem:s23+$0xFFFFFFF0];
	v21 =	vcvt.f32.s32 v8;
	v8 =	vsub.f32 v12, v9;
	v9 =	vsub.f32 v14, v7  }
0xd2: {  	v62 =	vsub.s32 $0xF9, v16;
	v17 =	vld [tilespmem:s25+$0xFFFFFFFE];
	v10 =	vcvt.f32.s32 v10;
	v7 =	vmul.f32 v4, v2  }
0xd3: {  	v12 =	vld [tilespmem:s25+$0x0];
	v14 =	vmul.u32 $0xFFFFFE70, v21;
	v23 =	vsub.s32 $0xF9, v21;
	v8 =	vadd.f32 v8, v9  }
0xd4: {  	v57 =	vld [tilespmem:s18+$0x10];
	vm1 =	vlt.s32 v21, $0x1;
	v9 =	vsub.f32 v15, v20;
	vm0 =	vlt.s32 v23, $0x1  }
0xd5: {  	v15 =	vnsel vm1, $0x1, v21;
	v21 =	vmul.u32 $0xFFFFFE70, v10;
	v14 =	vadd.s32 v5, v14  }
0xd6: {  	v58 =	vld [tilespmem:s23+$0xFFFFFCE0];
	v23 =	vnsel vm0, $0x1, v23;
	v5 =	vtrunc.f32 v18;
	v18 =	vsub.f32 v22, v19  }
0xd7: {  	v20 =	vld [tilespmem:s23+$0x0];
	v19 =	vsub.s32 $0xF9, v10;
	vm0 =	vlt.s32 v14, $0x1;
	v22 =	vcvt.f32.s32 v5  }
0xd8: {  	v12 =	vsub.f32 v12, v17;
	vm1 =	vlt.s32 v19, $0x1;
	v15 =	vmul.u32 v15, v23  }
0xd9: {  	v17 =	vmul.f32 v57, v2;
	v6 =	vadd.s32 v6, v21;
	v21 =	vsub.s32 $0x18F, v14  }
0xda: {  	v19 =	vnsel vm1, $0x1, v19;
	vm1 =	vlt.s32 v6, $0x1;
	v14 =	vnsel vm0, $0x1, v14  }
0xdb: {  	vm0 =	vlt.s32 v21, $0x1;
	v23 =	vmul.u32 $0xFFFFFE70, v22;
	v59 =	vnsel vm1, $0x1, v6  }
0xdc: {  	v27 =	vsub.s32 $0xF9, v22;
	v20 =	vsub.f32 v20, v58;
	vm1 =	vlt.s32 v10, $0x1  }
0xdd: {  	v5 =	vld [tilespmem:s18+$0x0];
	vm2 =	vlt.s32 v22, $0x1;
	v14 =	vmul.u32 v14, v15;
	v21 =	vnsel vm0, $0x1, v21  }
0xde: {  	vm0 =	vlt.s32 v16, $0x1;
	v6 =	vsub.s32 $0x18F, v6;
	vm3 =	vlt.s32 v27, $0x1  }
0xdf: {  	v22 =	vnsel vm2, $0x1, v22;
	v10 =	vnsel vm1, $0x1, v10;
	v13 =	vadd.s32 v13, v23;
	v23 =	vld [tilespmem:s25+$0xFFFFFFF0]  }
0xe0: {  	vm1 =	vlt.s32 v6, $0x1;
	v60 =	vnsel vm3, $0x1, v27;
	v12 =	vadd.f32 v20, v12;
	v20 =	vld [tilespmem:s25+$0xFFFFFFEE]  }
0xe1: {  	v14 =	vmul.u32 v21, v14;
	v21 =	vnsel vm0, $0x1, v16;
	v10 =	vmul.u32 v10, v19  }
0xe2: {  	v61 =	vmul.f32 v5, v2;
	v15 =	vmul.u32 v22, v60;
	vm2 =	vlt.s32 v13, $0x1  }
0xe3: {  	v22 =	vmul.u32 $0xFFFFFE70, v16;
	v16 =	vsub.s32 $0x18F, v13;
	v28 =	vnsel vm2, $0x1, v13  }
0xe4: {  	vm2 =	vlt.s32 v62, $0x1;
	v12 =	vsub.f32 v12, v17;
	v63 =	vcvt.s32.f32 v14  }
0xe5: {  	v29 =	vld [tilespmem:s23+$0xFFFFFFD0];
	vm0 =	vlt.s32 v16, $0x1;
	v14 =	vmul.u32 v59, v10;
	v20 =	vsub.f32 v23, v20  }
0xe6: {  	v11 =	vadd.s32 v11, v22;
	v17 =	vnsel vm2, $0x1, v62;
	v15 =	vmul.u32 v28, v15;
	v23 =	vld [tilespmem:s23+$0xFFFFFCB0]  }
0xe7: {  	v13 =	vadd.f32 v18, v20;
	v20 =	vmul.u32 v21, v17;
	v17 =	vnsel vm1, $0x1, v6;
	v6 =	vld [tilespmem:s18+$0xFFFFFFE0]  }
0xe8: {  	s10 =	simm.s32 $0x0;
	s11 =	simm.s32 $0x3EE0;
	s28 =	simm.s32 $0x1770;
	v22 =	vsub.s32 $0x18F, v11;
	v12 =	vmul.f32 v12, v3;
	vm3 =	vlt.s32 v11, $0x1  }
0xe9: {  	s29 =	simm.s32 $0x6E80;
	s12 =	simm.s32 $0x7310;
	s14 =	simm.s32 $0x5760;
	vm2 =	vlt.s32 v22, $0x1;
	v11 =	vnsel vm3, $0x1, v11;
	v19 =	vsub.f32 v13, v61  }
0xea: {  	s20 =	sadd.s32 $0x40, s18;
	s1 =	simm.s32 $0x3EA0;
	s0 =	simm.s32 $0x5720;
	v18 =	vnsel vm2, $0x1, v22;
	v13 =	vmul.f32 v63, v12;
	v20 =	vmul.u32 v11, v20  }
0xeb: {  	s26 =	simm.s32 $0x8A20;
	s24 =	simm.s32 $0x5600;
	s25 =	simm.s32 $0xA620;
	v11 =	vmul.f32 v63, v57;
	v12 =	vmul.f32 v19, v3;
	v19 =	vsub.f32 v29, v23  }
.LBB2_12:
0xec: {  	s5 =	sadd.s32 s10, s13;
	v10 =	vld [tilespmem:s12+$0xFFFFFFF0];
	s10 =	sadd.s32 $0x40, s10;
	v21 =	vmul.f32 v6, v2;
	v16 =	vnsel vm0, $0x1, v16;
	v7 =	vsub.f32 v8, v7;
	s23 =	sadd.s32 $0x40, s23  }
0xed: {  	s6 =	sadd.s32 $0x40, s5;
	v8 =	vld [tilespmem:s20+$0xFFFFFFF0];
	s8 =	sadd.s32 $0x50, s5;
	s22 =	sadd.s32 $0x60, s5;
	v9 =	vadd.f32 v19, v9;
	v15 =	vmul.u32 v16, v15;
	v16 =	vmul.u32 v18, v20;
	[tilespmem:s1+$0x10] =	vst v11  }
0xee: {  	s5 =	sadd.s32 $0x70, s5;
	p1 =	slt.u32 s10, $0x1740;
	v11 =	vor.u32 s6, v1;
	v18 =	vld [tilespmem:s12+$0xFFFFFFDE];
	v19 =	vor.u32 s8, v1;
	v7 =	vmul.f32 v7, v3  }
0xef: {  	v20 =	vshrl.u32 v11, $0x1;
	v22 =	vld [tilespmem:s23+$0xFFFFFCC0];
	v11 =	vor.u32 s5, v1;
	v9 =	vsub.f32 v9, v21;
	[tilespmem:s0+$0x10] =	vst v13  }
0xf0: {  	v21 =	vor.u32 s22, v1;
	v13 =	vld [tilespmem:s12+$0xFFFFFFD0];
	v23 =	vshrl.u32 v11, $0x1;
	v11 =	vcvt.s32.f32 v15  }
0xf1: {  	v14 =	vmul.u32 v17, v14;
	v19 =	vshrl.u32 v19, $0x1;
	v24 =	vcvt.s32.f32 v20;
	v15 =	vld [tilespmem:s20+$0xFFFFFFE0]  }
0xf2: {  	v17 =	vshrl.u32 v21, $0x1;
	v25 =	vcvt.s32.f32 v23;
	v21 =	vld [tilespmem:s12+$0xFFFFFFFE];
	v7 =	vmul.f32 v11, v7  }
0xf3: {  	v27 =	vcvt.s32.f32 v17;
	v24 =	vadd.f32 $5.000000000e-01, v24;
	v11 =	vmul.f32 v11, v4;
	v4 =	vmovc v8;
	v26 =	vld [tilespmem:s23+$0xFFFFFCD0]  }
0xf4: {  	v16 =	vcvt.s32.f32 v16;
	v28 =	vcvt.s32.f32 v19;
	v25 =	vadd.f32 $5.000000000e-01, v25;
	v8 =	vld [tilespmem:s23+$0xFFFFFFE0]  }
0xf5: {  	v9 =	vmul.f32 v9, v3;
	v27 =	vadd.f32 $5.000000000e-01, v27;
	v24 =	vmul.f32 $2.499999940e-03, v24;
	v29 =	vld [tilespmem:s12+$0xFFFFFFE0];
	[tilespmem:s1+$0xFFFFFFF0] =	vst v11  }
0xf6: {  	v14 =	vcvt.s32.f32 v14;
	v28 =	vadd.f32 $5.000000000e-01, v28;
	v25 =	vmul.f32 $2.499999940e-03, v25;
	v11 =	vld [tilespmem:s20+$0x10];
	[tilespmem:s0+$0xFFFFFFF0] =	vst v7  }
0xf7: {  	v12 =	vmul.f32 v16, v12;
	v7 =	vtrunc.f32 v24;
	v24 =	vld [tilespmem:s23+$0xFFFFFFF0]  }
0xf8: {  	v31 =	vmul.f32 v14, v9;
	v25 =	vtrunc.f32 v25;
	v30 =	vld [tilespmem:s12+$0xFFFFFFCE]  }
0xf9: {  	v5 =	vmul.f32 v16, v5;
	v25 =	vcvt.f32.s32 v25;
	v8 =	vsub.f32 v8, v22;
	v22 =	vld [tilespmem:s23+$0xFFFFFCE0]  }
0xfa: {  	v16 =	vcvt.f32.s32 v7;
	v7 =	vmul.f32 v4, v2;
	v9 =	vsub.f32 v29, v18;
	v18 =	vld [tilespmem:s23+$0x0]  }
0xfb: {  	v28 =	vmul.f32 $2.499999940e-03, v28;
	v32 =	vmul.u32 $0xFFFFFE70, v25;
	v33 =	vsub.s32 $0xF9, v25;
	v29 =	vld [tilespmem:s12+$0x0];
	[tilespmem:s1+$0x0] =	vst v5  }
0xfc: {  	vm0 =	vlt.s32 v25, $0x1;
	vm1 =	vlt.s32 v33, $0x1;
	v8 =	vadd.f32 v8, v9;
	[tilespmem:s0+$0x0] =	vst v12  }
0xfd: {  	v5 =	vmul.f32 v14, v6;
	v6 =	vmovc v15;
	v12 =	vadd.s32 v23, v32;
	v23 =	vnsel vm1, $0x1, v33  }
0xfe: {  	v9 =	vsub.f32 v13, v30;
	v13 =	vnsel vm0, $0x1, v25;
	vm0 =	vlt.s32 v12, $0x1  }
0xff: {  	v14 =	vmul.u32 $0xFFFFFE70, v16;
	v15 =	vtrunc.f32 v28;
	v24 =	vsub.f32 v24, v26;
	[tilespmem:s1+$0xFFFFFFE0] =	vst v5;
	s1 =	smov.u32 s11  }
0x100: {  	v15 =	vcvt.f32.s32 v15;
	v25 =	vsub.s32 $0xF9, v16;
	v21 =	vsub.f32 v29, v21;
	[tilespmem:s0+$0xFFFFFFE0] =	vst v31;
	s0 =	smov.u32 s14  }
0x101: {  	vm1 =	vlt.s32 v25, $0x1;
	v13 =	vmul.u32 v13, v23;
	v23 =	vmul.f32 v11, v2;
	v5 =	vld [tilespmem:s20+$0x0]  }
0x102: {  	v14 =	vadd.s32 v20, v14;
	v20 =	vnsel vm1, $0x1, v25;
	v25 =	vsub.s32 $0x18F, v12  }
0x103: {  	v27 =	vmul.f32 $2.499999940e-03, v27;
	v26 =	vmul.u32 $0xFFFFFE70, v15;
	vm1 =	vlt.s32 v14, $0x1  }
0x104: {  	v18 =	vsub.f32 v18, v22;
	v28 =	vnsel vm1, $0x1, v14;
	v29 =	vsub.s32 $0xF9, v15  }
0x105: {  	vm2 =	vlt.s32 v15, $0x1;
	vm1 =	vlt.s32 v16, $0x1;
	vm3 =	vlt.s32 v29, $0x1  }
0x106: {  	v27 =	vtrunc.f32 v27;
	v22 =	vnsel vm3, $0x1, v29;
	v29 =	vmul.f32 v5, v2  }
0x107: {  	v12 =	vnsel vm0, $0x1, v12;
	v19 =	vadd.s32 v19, v26;
	v26 =	vcvt.f32.s32 v27  }
0x108: {  	v15 =	vnsel vm2, $0x1, v15;
	v12 =	vmul.u32 v12, v13;
	v18 =	vadd.f32 v18, v21  }
0x109: {  	vm0 =	vlt.s32 v25, $0x1;
	v21 =	vmul.u32 $0xFFFFFE70, v26;
	v13 =	vmul.u32 v15, v22;
	v15 =	vld [tilespmem:s12+$0xFFFFFFEE]  }
0x10a: {  	vm2 =	vlt.s32 v19, $0x1;
	v25 =	vnsel vm0, $0x1, v25;
	v22 =	vsub.s32 $0xF9, v26  }
0x10b: {  	v27 =	vnsel vm2, $0x1, v19;
	vm0 =	vlt.s32 v26, $0x1;
	vm2 =	vlt.s32 v22, $0x1  }
0x10c: {  	v30 =	vnsel vm1, $0x1, v16;
	v17 =	vadd.s32 v17, v21;
	v16 =	vsub.f32 v18, v23  }
0x10d: {  	v12 =	vmul.u32 v25, v12;
	v18 =	vnsel vm2, $0x1, v22;
	v21 =	vsub.s32 $0x18F, v17  }
0x10e: {  	v22 =	vnsel vm0, $0x1, v26;
	v23 =	vmul.f32 v16, v3;
	v10 =	vsub.f32 v10, v15  }
0x10f: {  	v31 =	vcvt.s32.f32 v12;
	v26 =	vsub.s32 $0x18F, v14;
	v16 =	vsub.s32 $0x18F, v19;
	v25 =	vld [tilespmem:s23+$0xFFFFFCB0]  }
0x110: {  	v12 =	vmul.u32 v30, v20;
	v15 =	vmul.u32 v27, v13;
	v19 =	vld [tilespmem:s23+$0xFFFFFFD0];
	v10 =	vadd.f32 v24, v10  }
.Ltmp4:
0x111: {  	vm1 =	vlt.s32 v26, $0x1;
	v20 =	vmul.u32 v22, v18;
	vm2 =	vlt.s32 v21, $0x1;
	(pc) =	sbr.rel @p1 .LBB2_12-.Ltmp4, $4  }
0x112: {  	vm3 =	vlt.s32 v17, $0x1;
	vm0 =	vlt.s32 v16, $0x1;
	v10 =	vsub.f32 v10, v29  }
0x113: {  	v22 =	vnsel vm3, $0x1, v17;
	v18 =	vnsel vm2, $0x1, v21;
	v13 =	vmul.f32 v31, v23  }
0x114: {  	s11 =	sadd.s32 $0x40, s11;
	v14 =	vmul.u32 v28, v12;
	v17 =	vnsel vm1, $0x1, v26;
	v12 =	vmul.f32 v10, v3  }
0x115: {  	s14 =	sadd.s32 $0x40, s14;
	s20 =	sadd.s32 $0x40, s20;
	v11 =	vmul.f32 v31, v11;
	v20 =	vmul.u32 v22, v20;
	s12 =	sadd.s32 $0x40, s12;
	v19 =	vsub.f32 v19, v25  }
0x116: {  	v10 =	vnsel vm0, $0x1, v16  }
0x117: {  	v10 =	vmul.u32 v10, v15  }
0x118: {  	v60 =	vmul.u32 v18, v20  }
0x119: {  	v7 =	vsub.f32 v8, v7;
	v10 =	vcvt.s32.f32 v10  }
0x11a: {  	v61 =	vmul.f32 v6, v2;
	v9 =	vadd.f32 v19, v9;
	v8 =	vcvt.s32.f32 v60  }
0x11b: {  	v62 =	vmul.u32 v17, v14;
	[tilespmem:s1+$0x10] =	vst v11;
	v7 =	vmul.f32 v7, v3;
	v4 =	vmul.f32 v10, v4  }
0x11c: {  	[tilespmem:s0+$0x10] =	vst v13;
	v9 =	vsub.f32 v9, v61;
	v5 =	vmul.f32 v8, v5  }
0x11d: {  	v7 =	vmul.f32 v10, v7;
	[tilespmem:s1+$0xFFFFFFF0] =	vst v4;
	v4 =	vcvt.s32.f32 v62  }
0x11e: {  	v9 =	vmul.f32 v9, v3;
	v63 =	vmul.f32 v8, v12;
	[tilespmem:s1+$0x0] =	vst v5  }
0x11f: {  	[tilespmem:s0+$0xFFFFFFF0] =	vst v7;
	v5 =	vmul.f32 v4, v6  }
0x120: {  	[tilespmem:s0+$0x0] =	vst v63;
	v4 =	vmul.f32 v4, v9  }
0x121: {  	[tilespmem:s1+$0xFFFFFFE0] =	vst v5  }
0x122: {  	[tilespmem:s0+$0xFFFFFFE0] =	vst v4  }
0x123: {  	s0 =	rddreg [dreg:$0xe]  }
.LBB2_14:
0x124: {  	s1 =	sadd.s32 s28, s21  }
0x125: {  	s1 =	sadd.s32 $0xFFFFE890, s1  }
0x126: {  	v4 =	vor.u32 s1, v1  }
0x127: {  	v4 =	vshrl.u32 v4, $0x1  }
0x128: {  	v5 =	vcvt.s32.f32 v4;
	_ =	sdelay $0x1  }
0x129: {  	v5 =	vadd.f32 $5.000000000e-01, v5;
	_ =	sdelay $0x1  }
0x12a: {  	v5 =	vmul.f32 $2.499999940e-03, v5  }
0x12b: {  	v6 =	vld [tilespmem:s26+$0x0]  }
0x12c: {  	v7 =	vld [tilespmem:s26+$0xFFFFFFFE];
	v5 =	vtrunc.f32 v5  }
0x12d: {  	v8 =	vld [tilespmem:s25+$0x0];
	v5 =	vcvt.f32.s32 v5  }
0x12e: {  	v9 =	vld [tilespmem:s25+$0xFFFFFCE0]  }
0x12f: {  	v10 =	vmul.u32 $0xFFFFFE70, v5;
	v11 =	vsub.s32 $0xF9, v5  }
0x130: {  	v12 =	vld [tilespmem:s0+$0x0];
	vm0 =	vlt.s32 v5, $0x1;
	vm1 =	vlt.s32 v11, $0x1  }
0x131: {  	v5 =	vnsel vm0, $0x1, v5;
	v4 =	vadd.s32 v4, v10;
	v59 =	vnsel vm1, $0x1, v11  }
0x132: {  	v6 =	vsub.f32 v6, v7;
	v5 =	vmul.u32 v5, v59;
	vm14 =	vlt.s32 v4, $0x1  }
0x133: {  	v60 =	vsub.f32 v8, v9;
	v61 =	vnsel vm14, $0x1, v4;
	v4 =	vsub.s32 $0x18F, v4  }
0x134: {  	v5 =	vmul.u32 v61, v5;
	vm15 =	vlt.s32 v4, $0x1  }
0x135: {  	v62 =	vmul.f32 v12, v2;
	v6 =	vadd.f32 v60, v6;
	v4 =	vnsel vm15, $0x1, v4  }
0x136: {  	v4 =	vmul.u32 v4, v5  }
0x137: {  	s28 =	sadd.s32 $0x10, s28;
	v5 =	vsub.f32 v6, v62  }
0x138: {  	p1 =	slt.u32 s28, $0x17A0;
	v4 =	vcvt.s32.f32 v4  }
.Ltmp5:
0x139: {  	v5 =	vmul.f32 v5, v3;
	(pc) =	sbr.rel @p1 .LBB2_14-.Ltmp5, $4  }
0x13a: {  	v63 =	vmul.f32 v4, v12  }
0x13b: {  	v4 =	vmul.f32 v4, v5  }
0x13c: {  	s0 =	sadd.s32 $0x10, s0;
	s25 =	sadd.s32 $0x10, s25;
	[tilespmem:s24+$0x0] =	vst v63  }
0x13d: {  	s26 =	sadd.s32 $0x10, s26;
	s24 =	sadd.s32 $0x10, s24;
	[tilespmem:s29+$0x0] =	vst v4;
	s29 =	sadd.s32 $0x10, s29  }
0x13e: {  	s0 =	rddreg [dreg:$0xb];
	s1 =	simm.s32 $0x3E80  }
0x13f: {  	[hbm4b:s0+s4] =	stream.linear.scatter [tilespmem:s1], [sflag:$0x3], $0x17B0, $0x38;
	[tilespmem:$0xA800] =	vst v63  }
0x140: {  	_ =	swait.ge [sflag:s30], $0x17B0  }
0x141: {  	s29 =	simm.s32 $0x5700;
	[sflag:s30] =	ssyncset.done $0x0  }
.Ltmp6:
0x142: {  	s28 =	rddreg [dreg:$0xc];
	[sflag:s30] =	ssyncadd.s32 $0xFFFFE850;
	(pc) =	sbr.rel .LBB2_16-.Ltmp6, $4  }
0x143: {  	[hbm4b:s28+s4] =	stream.linear.scatter [tilespmem:s29], [sflag:$0x3], $0x17B0, $0x38;
	[tilespmem:$0xA800] =	vst v63  }
0x144: {  	_ =	swait.ge [sflag:s30], $0x17B0  }
0x145: {  	[sflag:s30] =	ssyncset.done $0x0  }
0x146: {  	[sflag:s30] =	ssyncadd.s32 $0xFFFFE850  }
.LBB2_2:
0x147: {  	v6 =	vld [tilespmem:s17+$0x0]  }
0x148: {  	v7 =	vld [tilespmem:s17+$0x320];
	_ =	sdelay $0x1  }
0x149: {  	s0 =	sadd.s32 $0xFFFFFFC0, s16  }
0x14a: {  	v10 =	vld [tilespmem:s17+$0x300];
	s1 =	sadd.s32 $0x380, s0  }
0x14b: {  	v14 =	vld [tilespmem:s17+$0x10];
	s1 =	sor.u32 $0x2, s1  }
0x14c: {  	v8 =	vld [tilespmem:s1+$0x0];
	v12 =	vsub.f32 v7, v6  }
0x14d: {  	v15 =	vld [tilespmem:s17+$0xFFFFFFE0];
	s29 =	sadd.s32 $0x360, s0  }
0x14e: {  	v17 =	vld [tilespmem:s17+$0xFFFFFFF0];
	s1 =	sor.u32 $0x2, s29;
	v9 =	vmul.f32 v12, v12  }
0x14f: {  	s10 =	sadd.s32 $0x390, s0;
	v13 =	vld [tilespmem:s1+$0x0]  }
0x150: {  	s10 =	sor.u32 $0x2, s10;
	v7 =	vld [tilespmem:s17+$0x330];
	v11 =	vperm.xlane v9, v0  }
0x151: {  	v16 =	vld [tilespmem:s10+$0x0];
	v6 =	vsub.f32 v8, v6  }
0x152: {  	v19 =	vld [tilespmem:s17+$0x310];
	v9 =	vadd.f32 v11, v9  }
0x153: {  	s0 =	sadd.s32 $0x370, s0;
	v18 =	vmul.f32 v6, v6  }
0x154: {  	s0 =	sor.u32 $0x2, s0;
	v13 =	vsub.f32 v13, v15;
	v8 =	vshra.s32 v9, $0x1;
	v9 =	vmul.f32 $5.000000000e-01, v9  }
0x155: {  	v21 =	vld [tilespmem:s0+$0x0];
	v11 =	vsub.f32 v7, v14;
	v22 =	vperm.xlane v18, v0;
	v20 =	vsub.s32 $0x5F3759DF, v8  }
0x156: {  	v8 =	vsub.f32 v16, v14;
	v16 =	vmul.f32 v13, v13;
	v7 =	vmul.f32 v20, v9  }
0x157: {  	v9 =	vsub.f32 v10, v15;
	v15 =	vmul.f32 v11, v11;
	v10 =	vsub.f32 v19, v17  }
0x158: {  	v14 =	vadd.f32 v22, v18;
	v23 =	vmul.f32 v8, v8;
	v7 =	vmul.f32 v20, v7  }
0x159: {  	v18 =	vperm.xlane v15, v0;
	v22 =	vmul.f32 v10, v10  }
0x15a: {  	v19 =	vsub.f32 $1.500000000e+00, v7;
	v7 =	vsub.f32 v21, v17;
	v17 =	vmul.f32 $5.000000000e-01, v14  }
0x15b: {  	v21 =	vperm.xlane v16, v0;
	v14 =	vshra.s32 v14, $0x1;
	v24 =	vperm.xlane v22, v0  }
0x15c: {  	v14 =	vsub.s32 $0x5F3759DF, v14;
	v19 =	vmul.f32 v20, v19;
	v20 =	vmul.f32 v9, v9  }
0x15d: {  	v21 =	vadd.f32 v21, v16;
	v27 =	vmul.f32 v7, v7;
	v16 =	vmul.f32 v14, v17  }
0x15e: {  	v17 =	vperm.xlane v23, v0;
	v19 =	vmul.f32 v19, v5  }
0x15f: {  	v26 =	vadd.f32 v18, v15;
	v18 =	vadd.f32 v24, v22;
	v25 =	vperm.xlane v20, v0  }
0x160: {  	v22 =	vperm.xlane v27, v0;
	v17 =	vadd.f32 v17, v23;
	v15 =	vsub.f32 v4, v19  }
0x161: {  	v24 =	vmul.f32 $5.000000000e-01, v21;
	v28 =	vmul.f32 $5.000000000e-01, v18;
	v19 =	vadd.f32 v25, v20  }
0x162: {  	v23 =	vshra.s32 v17, $0x1;
	v22 =	vadd.f32 v22, v27;
	v12 =	vmul.f32 v15, v12  }
0x163: {  	v15 =	vshra.s32 v18, $0x1;
	v25 =	vshra.s32 v19, $0x1;
	v18 =	vshra.s32 v21, $0x1  }
0x164: {  	v21 =	vmul.f32 $5.000000000e-01, v17;
	v15 =	vsub.s32 $0x5F3759DF, v15;
	v20 =	vsub.s32 $0x5F3759DF, v18  }
0x165: {  	v18 =	vsub.s32 $0x5F3759DF, v25;
	v25 =	vmul.f32 $5.000000000e-01, v19;
	v24 =	vmul.f32 v20, v24  }
0x166: {  	s11 =	simm.s32 $0x8BE0;
	v17 =	vshra.s32 v26, $0x1;
	v26 =	vmul.f32 $5.000000000e-01, v26;
	v19 =	vmul.f32 v15, v28  }
0x167: {  	s10 =	sadd.s32 $0x40, s17;
	s0 =	simm.s32 $0x6FA0;
	s1 =	simm.s32 $0x0;
	v17 =	vsub.s32 $0x5F3759DF, v17;
	v25 =	vmul.f32 v18, v25;
	v24 =	vmul.f32 v20, v24  }
.LBB2_3:
0x168: {  	s12 =	sadd.s32 s1, s16;
	v27 =	vld [tilespmem:s10+$0x0];
	s1 =	sadd.s32 $0x40, s1;
	v23 =	vsub.s32 $0x5F3759DF, v23;
	v26 =	vmul.f32 v17, v26;
	s24 =	sadd.s32 $0x40, s24  }
0x169: {  	s14 =	sadd.s32 $0x360, s12;
	s20 =	sadd.s32 $0x370, s12;
	s25 =	sadd.s32 $0x380, s12;
	v28 =	vld [tilespmem:s10+$0x330];
	v24 =	vsub.f32 $1.500000000e+00, v24;
	v25 =	vmul.f32 v18, v25;
	v21 =	vmul.f32 v23, v21  }
0x16a: {  	v16 =	vmul.f32 v14, v16;
	s14 =	sor.u32 $0x2, s14;
	v29 =	vld [tilespmem:s10+$0x300];
	s20 =	sor.u32 $0x2, s20;
	s25 =	sor.u32 $0x2, s25;
	v26 =	vmul.f32 v17, v26  }
0x16b: {  	s12 =	sadd.s32 $0x390, s12;
	p1 =	slt.u32 s1, $0x1B40;
	v30 =	vld [tilespmem:s10+$0x320];
	v20 =	vmul.f32 v20, v24;
	v24 =	vsub.f32 $1.500000000e+00, v25;
	v21 =	vmul.f32 v23, v21  }
0x16c: {  	v31 =	vshra.s32 v22, $0x1;
	v22 =	vmul.f32 $5.000000000e-01, v22;
	s12 =	sor.u32 $0x2, s12;
	v25 =	vld [tilespmem:s10+$0x10];
	v26 =	vsub.f32 $1.500000000e+00, v26  }
0x16d: {  	v31 =	vsub.s32 $0x5F3759DF, v31;
	v16 =	vsub.f32 $1.500000000e+00, v16;
	v32 =	vld [tilespmem:s10+$0xFFFFFFE0];
	v20 =	vmul.f32 v20, v5  }
0x16e: {  	v22 =	vmul.f32 v31, v22;
	v18 =	vmul.f32 v18, v24;
	v21 =	vsub.f32 $1.500000000e+00, v21;
	v33 =	vld [tilespmem:s25+$0x0]  }
0x16f: {  	v19 =	vmul.f32 v15, v19;
	v14 =	vmul.f32 v14, v16;
	v24 =	vld [tilespmem:s14+$0x0];
	v20 =	vsub.f32 v4, v20  }
0x170: {  	v17 =	vmul.f32 v17, v26;
	v18 =	vmul.f32 v18, v5;
	v30 =	vsub.f32 v30, v27;
	v16 =	vld [tilespmem:s12+$0x0]  }
0x171: {  	v26 =	vld [tilespmem:s20+$0x0];
	v28 =	vsub.f32 v28, v25;
	v13 =	vmul.f32 v20, v13;
	v20 =	vmul.f32 v14, v5  }
0x172: {  	v22 =	vmul.f32 v31, v22;
	v14 =	vsub.f32 v29, v32;
	v29 =	vld [tilespmem:s10+$0xFFFFFFF0];
	v34 =	vmul.f32 v30, v30  }
0x173: {  	v21 =	vmul.f32 v23, v21;
	v27 =	vsub.f32 v33, v27;
	v33 =	vmul.f32 v28, v28;
	[tilespmem:s0+$0xFFFFFFE0] =	vst v13  }
0x174: {  	v18 =	vsub.f32 v4, v18;
	v13 =	vsub.f32 v24, v32;
	v23 =	vperm.xlane v34, v0  }
0x175: {  	v22 =	vsub.f32 $1.500000000e+00, v22;
	v24 =	vmul.f32 v27, v27;
	v16 =	vsub.f32 v16, v25  }
0x176: {  	v18 =	vmul.f32 v18, v9;
	v9 =	vmovc v14;
	v25 =	vmul.f32 v13, v13;
	v23 =	vadd.f32 v23, v34  }
0x177: {  	v21 =	vmul.f32 v21, v5;
	v32 =	vld [tilespmem:s10+$0x310];
	v26 =	vsub.f32 v26, v29;
	v34 =	vperm.xlane v24, v0  }
0x178: {  	v17 =	vmul.f32 v17, v5;
	v35 =	vshra.s32 v23, $0x1;
	v23 =	vmul.f32 $5.000000000e-01, v23;
	[tilespmem:s23+$0xFFFFFFE0] =	vst v18  }
0x179: {  	v19 =	vsub.f32 $1.500000000e+00, v19;
	v18 =	vadd.f32 v34, v24;
	v24 =	vsub.s32 $0x5F3759DF, v35  }
0x17a: {  	v17 =	vsub.f32 v4, v17;
	v34 =	vperm.xlane v33, v0;
	v23 =	vmul.f32 v24, v23  }
0x17b: {  	v22 =	vmul.f32 v31, v22;
	v35 =	vshra.s32 v18, $0x1;
	v18 =	vmul.f32 $5.000000000e-01, v18  }
0x17c: {  	v15 =	vmul.f32 v15, v19;
	v29 =	vsub.f32 v32, v29;
	v23 =	vmul.f32 v24, v23  }
0x17d: {  	v19 =	vmul.f32 v14, v9;
	v31 =	vmul.f32 v16, v16;
	v14 =	vsub.s32 $0x5F3759DF, v35  }
0x17e: {  	v15 =	vmul.f32 v15, v5;
	v32 =	vperm.xlane v25, v0;
	v23 =	vsub.f32 $1.500000000e+00, v23  }
0x17f: {  	v20 =	vsub.f32 v4, v20;
	v21 =	vsub.f32 v4, v21;
	v35 =	vmul.f32 v29, v29  }
0x180: {  	v22 =	vmul.f32 v22, v5;
	v25 =	vadd.f32 v32, v25;
	v23 =	vmul.f32 v24, v23  }
0x181: {  	v15 =	vsub.f32 v4, v15;
	v21 =	vmul.f32 v21, v8;
	v8 =	vmovc v16;
	v24 =	vperm.xlane v35, v0  }
0x182: {  	v22 =	vsub.f32 v4, v22;
	v20 =	vmul.f32 v20, v6;
	v6 =	vmovc v27;
	v23 =	vmul.f32 v23, v5  }
0x183: {  	v11 =	vmul.f32 v17, v11;
	v27 =	vperm.xlane v19, v0;
	v32 =	vadd.f32 v34, v33;
	[tilespmem:s0+$0x10] =	vst v21  }
0x184: {  	v16 =	vmul.f32 v14, v18;
	v33 =	vmul.f32 v26, v26;
	v17 =	vsub.f32 v4, v23;
	[tilespmem:s0+$0x0] =	vst v20  }
0x185: {  	v18 =	vadd.f32 v24, v35;
	v24 =	vmul.f32 v15, v10;
	v20 =	vperm.xlane v31, v0;
	[tilespmem:s23+$0x10] =	vst v11  }
0x186: {  	v19 =	vadd.f32 v27, v19;
	v27 =	vperm.xlane v33, v0;
	[tilespmem:s23+$0x0] =	vst v12;
	v12 =	vmul.f32 v17, v30  }
0x187: {  	v10 =	vmovc v29;
	v15 =	vshra.s32 v18, $0x1;
	v11 =	vmovc v28;
	v17 =	vmul.f32 $5.000000000e-01, v25;
	v21 =	vadd.f32 v20, v31  }
0x188: {  	v22 =	vmul.f32 v22, v7;
	v7 =	vmovc v26;
	v29 =	vmul.f32 $5.000000000e-01, v18;
	v28 =	vshra.s32 v19, $0x1  }
.Ltmp7:
0x189: {  	v18 =	vshra.s32 v25, $0x1;
	v15 =	vsub.s32 $0x5F3759DF, v15;
	v23 =	vshra.s32 v21, $0x1;
	(pc) =	sbr.rel @p1 .LBB2_3-.Ltmp7, $4  }
0x18a: {  	v20 =	vsub.s32 $0x5F3759DF, v18;
	v18 =	vsub.s32 $0x5F3759DF, v28;
	v21 =	vmul.f32 $5.000000000e-01, v21;
	[tilespmem:s0+$0xFFFFFFF0] =	vst v22;
	s0 =	smov.u32 s24  }
0x18b: {  	v25 =	vmul.f32 $5.000000000e-01, v19;
	v22 =	vmul.f32 v20, v17;
	v17 =	vshra.s32 v32, $0x1;
	[tilespmem:s23+$0xFFFFFFF0] =	vst v24;
	s23 =	smov.u32 s11  }
0x18c: {  	v26 =	vmul.f32 $5.000000000e-01, v32;
	v19 =	vmul.f32 v15, v29;
	v17 =	vsub.s32 $0x5F3759DF, v17  }
0x18d: {  	s10 =	sadd.s32 $0x40, s10;
	v25 =	vmul.f32 v18, v25;
	s11 =	sadd.s32 $0x40, s11;
	v24 =	vmul.f32 v20, v22;
	v22 =	vadd.f32 v27, v33  }
0x18e: {  	v23 =	vsub.s32 $0x5F3759DF, v23;
	v26 =	vmul.f32 v17, v26;
	v16 =	vmul.f32 v14, v16  }
0x18f: {  	v19 =	vmul.f32 v15, v19;
	v24 =	vsub.f32 $1.500000000e+00, v24;
	v25 =	vmul.f32 v18, v25  }
0x190: {  	v21 =	vmul.f32 v23, v21;
	v55 =	vshra.s32 v22, $0x1;
	v22 =	vmul.f32 $5.000000000e-01, v22  }
0x191: {  	v26 =	vmul.f32 v17, v26;
	v20 =	vmul.f32 v20, v24  }
0x192: {  	v54 =	vsub.f32 $1.500000000e+00, v25;
	v21 =	vmul.f32 v23, v21;
	v25 =	vsub.s32 $0x5F3759DF, v55  }
0x193: {  	v16 =	vsub.f32 $1.500000000e+00, v16;
	v22 =	vmul.f32 v25, v22;
	v20 =	vmul.f32 v20, v5  }
0x194: {  	v19 =	vsub.f32 $1.500000000e+00, v19;
	v18 =	vmul.f32 v18, v54;
	v21 =	vsub.f32 $1.500000000e+00, v21  }
0x195: {  	v14 =	vmul.f32 v14, v16;
	v16 =	vsub.f32 v4, v20;
	v20 =	vmul.f32 v25, v22  }
0x196: {  	v56 =	vsub.f32 $1.500000000e+00, v26;
	v21 =	vmul.f32 v23, v21;
	v18 =	vmul.f32 v18, v5  }
0x197: {  	v14 =	vmul.f32 v14, v5;
	v13 =	vmul.f32 v16, v13;
	v16 =	vsub.f32 $1.500000000e+00, v20  }
0x198: {  	v17 =	vmul.f32 v17, v56;
	v20 =	vmul.f32 v21, v5;
	v18 =	vsub.f32 v4, v18  }
0x199: {  	v15 =	vmul.f32 v15, v19;
	v14 =	vsub.f32 v4, v14;
	v16 =	vmul.f32 v25, v16  }
0x19a: {  	v17 =	vmul.f32 v17, v5;
	v20 =	vsub.f32 v4, v20;
	v9 =	vmul.f32 v18, v9  }
0x19b: {  	v6 =	vmul.f32 v14, v6;
	[tilespmem:s0+$0xFFFFFFE0] =	vst v13;
	v16 =	vmul.f32 v16, v5  }
0x19c: {  	v13 =	vsub.f32 v4, v17;
	v8 =	vmul.f32 v20, v8;
	[tilespmem:s23+$0xFFFFFFE0] =	vst v9;
	v9 =	vmul.f32 v15, v5  }
0x19d: {  	[tilespmem:s0+$0x0] =	vst v6;
	v14 =	vsub.f32 v4, v16  }
0x19e: {  	v11 =	vmul.f32 v13, v11;
	[tilespmem:s0+$0x10] =	vst v8;
	v8 =	vsub.f32 v4, v9  }
0x19f: {  	[tilespmem:s23+$0x0] =	vst v12;
	v6 =	vmul.f32 v14, v7  }
0x1a0: {  	[tilespmem:s23+$0x10] =	vst v11;
	v7 =	vmul.f32 v8, v10  }
0x1a1: {  	[tilespmem:s0+$0xFFFFFFF0] =	vst v6  }
0x1a2: {  	[tilespmem:s23+$0xFFFFFFF0] =	vst v7  }
0x1a3: {  	v6 =	vld [tilespmem:s7+$0x1B80]  }
0x1a4: {  	v7 =	vld [tilespmem:s7+$0x1B82]  }
0x1a5: {  	v8 =	vld [tilespmem:s7+$0x1EA0];
	_ =	sdelay $0x3  }
0x1a6: {  	v7 =	vsub.f32 v7, v6  }
0x1a7: {  	v6 =	vsub.f32 v8, v6  }
0x1a8: {  	v8 =	vmul.f32 v7, v7  }
0x1a9: {  	v9 =	vmul.f32 v6, v6  }
0x1aa: {  	v10 =	vperm.xlane v8, v0  }
0x1ab: {  	v11 =	vperm.xlane v9, v0  }
0x1ac: {  	v8 =	vadd.f32 v10, v8  }
0x1ad: {  	v9 =	vadd.f32 v11, v9  }
0x1ae: {  	v10 =	vshra.s32 v8, $0x1;
	v8 =	vmul.f32 $5.000000000e-01, v8  }
0x1af: {  	v11 =	vshra.s32 v9, $0x1;
	v9 =	vmul.f32 $5.000000000e-01, v9;
	v10 =	vsub.s32 $0x5F3759DF, v10  }
0x1b0: {  	v11 =	vsub.s32 $0x5F3759DF, v11;
	v8 =	vmul.f32 v10, v8  }
0x1b1: {  	v9 =	vmul.f32 v11, v9  }
0x1b2: {  	v8 =	vmul.f32 v10, v8  }
0x1b3: {  	v9 =	vmul.f32 v11, v9  }
0x1b4: {  	v8 =	vsub.f32 $1.500000000e+00, v8  }
0x1b5: {  	v9 =	vsub.f32 $1.500000000e+00, v9  }
0x1b6: {  	v8 =	vmul.f32 v10, v8  }
0x1b7: {  	v9 =	vmul.f32 v11, v9  }
0x1b8: {  	v8 =	vmul.f32 v8, v5  }
0x1b9: {  	v5 =	vmul.f32 v9, v5  }
0x1ba: {  	v8 =	vsub.f32 v4, v8  }
0x1bb: {  	v4 =	vsub.f32 v4, v5  }
0x1bc: {  	v5 =	vmul.f32 v8, v7  }
0x1bd: {  	s1 =	sadd.s32 $0xFFFFFFC0, s13;
	v4 =	vmul.f32 v4, v6  }
0x1be: {  	s26 =	sadd.s32 $0x60, s1;
	[tilespmem:$0x8B00] =	vst v5  }
0x1bf: {  	v11 =	vor.u32 s26, v1;
	[tilespmem:$0xA700] =	vst v4  }
0x1c0: {  	s24 =	sadd.s32 $0x70, s1;
	v11 =	vshrl.u32 v11, $0x1;
	_ =	swait.ge [sflag:s3], $0x1870  }
0x1c1: {  	s10 =	sadd.s32 $0x40, s1;
	s1 =	sadd.s32 $0x50, s1;
	v16 =	vcvt.s32.f32 v11;
	[sflag:s3] =	ssyncset.done $0x0  }
0x1c2: {  	s25 =	simm.s32 $0x72D0;
	v13 =	vor.u32 s1, v1;
	v6 =	vor.u32 s10, v1;
	v5 =	vor.u32 s24, v1;
	[sflag:s3] =	ssyncadd.s32 $0xFFFFE790  }
0x1c3: {  	s23 =	simm.s32 $0x8ED0;
	v16 =	vadd.f32 $5.000000000e-01, v16;
	v6 =	vshrl.u32 v6, $0x1;
	v5 =	vshrl.u32 v5, $0x1;
	v7 =	vld [tilespmem:s25+$0xFFFFFFDE]  }
0x1c4: {  	v13 =	vshrl.u32 v13, $0x1;
	v10 =	vcvt.s32.f32 v6;
	v8 =	vcvt.s32.f32 v5;
	v9 =	vld [tilespmem:s23+$0xFFFFFCC0]  }
0x1c5: {  	v18 =	vcvt.s32.f32 v13;
	v16 =	vmul.f32 $2.499999940e-03, v16;
	v12 =	vld [tilespmem:s23+$0xFFFFFFE0]  }
0x1c6: {  	v10 =	vadd.f32 $5.000000000e-01, v10;
	v8 =	vadd.f32 $5.000000000e-01, v8;
	v14 =	vld [tilespmem:s25+$0xFFFFFFE0]  }
0x1c7: {  	v18 =	vadd.f32 $5.000000000e-01, v18;
	v16 =	vtrunc.f32 v16;
	v4 =	vld [tilespmem:s18+$0xFFFFFFF0]  }
0x1c8: {  	v15 =	vld [tilespmem:s25+$0xFFFFFFD0];
	v10 =	vmul.f32 $2.499999940e-03, v10;
	v8 =	vmul.f32 $2.499999940e-03, v8  }
0x1c9: {  	v18 =	vmul.f32 $2.499999940e-03, v18;
	v16 =	vcvt.f32.s32 v16;
	v20 =	vld [tilespmem:s25+$0xFFFFFFCE]  }
0x1ca: {  	v19 =	vld [tilespmem:s23+$0xFFFFFCD0];
	v10 =	vtrunc.f32 v10;
	v8 =	vtrunc.f32 v8  }
0x1cb: {  	v22 =	vld [tilespmem:s23+$0xFFFFFFF0];
	v21 =	vcvt.f32.s32 v8;
	v8 =	vsub.f32 v12, v9;
	v9 =	vsub.f32 v14, v7  }
0x1cc: {  	v62 =	vsub.s32 $0xF9, v16;
	v17 =	vld [tilespmem:s25+$0xFFFFFFFE];
	v10 =	vcvt.f32.s32 v10;
	v7 =	vmul.f32 v4, v2  }
0x1cd: {  	v12 =	vld [tilespmem:s25+$0x0];
	v14 =	vmul.u32 $0xFFFFFE70, v21;
	v23 =	vsub.s32 $0xF9, v21;
	v8 =	vadd.f32 v8, v9  }
0x1ce: {  	v57 =	vld [tilespmem:s18+$0x10];
	vm1 =	vlt.s32 v21, $0x1;
	v9 =	vsub.f32 v15, v20;
	vm0 =	vlt.s32 v23, $0x1  }
0x1cf: {  	v15 =	vnsel vm1, $0x1, v21;
	v21 =	vmul.u32 $0xFFFFFE70, v10;
	v14 =	vadd.s32 v5, v14  }
0x1d0: {  	v58 =	vld [tilespmem:s23+$0xFFFFFCE0];
	v23 =	vnsel vm0, $0x1, v23;
	v5 =	vtrunc.f32 v18;
	v18 =	vsub.f32 v22, v19  }
0x1d1: {  	v20 =	vld [tilespmem:s23+$0x0];
	v19 =	vsub.s32 $0xF9, v10;
	vm0 =	vlt.s32 v14, $0x1;
	v22 =	vcvt.f32.s32 v5  }
0x1d2: {  	v12 =	vsub.f32 v12, v17;
	vm1 =	vlt.s32 v19, $0x1;
	v15 =	vmul.u32 v15, v23  }
0x1d3: {  	v17 =	vmul.f32 v57, v2;
	v6 =	vadd.s32 v6, v21;
	v21 =	vsub.s32 $0x18F, v14  }
0x1d4: {  	v19 =	vnsel vm1, $0x1, v19;
	vm1 =	vlt.s32 v6, $0x1;
	v14 =	vnsel vm0, $0x1, v14  }
0x1d5: {  	vm0 =	vlt.s32 v21, $0x1;
	v23 =	vmul.u32 $0xFFFFFE70, v22;
	v59 =	vnsel vm1, $0x1, v6  }
0x1d6: {  	v27 =	vsub.s32 $0xF9, v22;
	v20 =	vsub.f32 v20, v58;
	vm1 =	vlt.s32 v10, $0x1  }
0x1d7: {  	v5 =	vld [tilespmem:s18+$0x0];
	vm2 =	vlt.s32 v22, $0x1;
	v14 =	vmul.u32 v14, v15;
	v21 =	vnsel vm0, $0x1, v21  }
0x1d8: {  	vm0 =	vlt.s32 v16, $0x1;
	v6 =	vsub.s32 $0x18F, v6;
	vm3 =	vlt.s32 v27, $0x1  }
0x1d9: {  	v22 =	vnsel vm2, $0x1, v22;
	v10 =	vnsel vm1, $0x1, v10;
	v13 =	vadd.s32 v13, v23;
	v23 =	vld [tilespmem:s25+$0xFFFFFFF0]  }
0x1da: {  	vm1 =	vlt.s32 v6, $0x1;
	v60 =	vnsel vm3, $0x1, v27;
	v12 =	vadd.f32 v20, v12;
	v20 =	vld [tilespmem:s25+$0xFFFFFFEE]  }
0x1db: {  	v14 =	vmul.u32 v21, v14;
	v21 =	vnsel vm0, $0x1, v16;
	v10 =	vmul.u32 v10, v19  }
0x1dc: {  	v61 =	vmul.f32 v5, v2;
	v15 =	vmul.u32 v22, v60;
	vm2 =	vlt.s32 v13, $0x1  }
0x1dd: {  	v22 =	vmul.u32 $0xFFFFFE70, v16;
	v16 =	vsub.s32 $0x18F, v13;
	v28 =	vnsel vm2, $0x1, v13  }
0x1de: {  	vm2 =	vlt.s32 v62, $0x1;
	v12 =	vsub.f32 v12, v17;
	v63 =	vcvt.s32.f32 v14  }
0x1df: {  	v29 =	vld [tilespmem:s23+$0xFFFFFFD0];
	vm0 =	vlt.s32 v16, $0x1;
	v14 =	vmul.u32 v59, v10;
	v20 =	vsub.f32 v23, v20  }
0x1e0: {  	v11 =	vadd.s32 v11, v22;
	v17 =	vnsel vm2, $0x1, v62;
	v15 =	vmul.u32 v28, v15;
	v23 =	vld [tilespmem:s23+$0xFFFFFCB0]  }
0x1e1: {  	v13 =	vadd.f32 v18, v20;
	v20 =	vmul.u32 v21, v17;
	v17 =	vnsel vm1, $0x1, v6;
	v6 =	vld [tilespmem:s18+$0xFFFFFFE0]  }
0x1e2: {  	s11 =	simm.s32 $0x3EE0;
	s28 =	simm.s32 $0x1830;
	s29 =	simm.s32 $0x6F40;
	v22 =	vsub.s32 $0x18F, v11;
	v12 =	vmul.f32 v12, v3;
	vm3 =	vlt.s32 v11, $0x1  }
0x1e3: {  	s12 =	simm.s32 $0x7310;
	s14 =	simm.s32 $0x5760;
	s20 =	sadd.s32 $0x40, s18;
	vm2 =	vlt.s32 v22, $0x1;
	v11 =	vnsel vm3, $0x1, v11;
	v19 =	vsub.f32 v13, v61  }
0x1e4: {  	s1 =	simm.s32 $0x3EA0;
	s0 =	simm.s32 $0x5720;
	s26 =	simm.s32 $0x8AE0;
	v18 =	vnsel vm2, $0x1, v22;
	v13 =	vmul.f32 v63, v12;
	v20 =	vmul.u32 v11, v20  }
0x1e5: {  	s10 =	simm.s32 $0x0;
	s24 =	simm.s32 $0x56C0;
	s25 =	simm.s32 $0xA6E0;
	v11 =	vmul.f32 v63, v57;
	v12 =	vmul.f32 v19, v3;
	v19 =	vsub.f32 v29, v23  }
.LBB2_5:
0x1e6: {  	s22 =	sadd.s32 s10, s13;
	v10 =	vld [tilespmem:s12+$0xFFFFFFF0];
	s10 =	sadd.s32 $0x40, s10;
	v21 =	vmul.f32 v6, v2;
	v16 =	vnsel vm0, $0x1, v16;
	v7 =	vsub.f32 v8, v7;
	s23 =	sadd.s32 $0x40, s23  }
0x1e7: {  	s5 =	sadd.s32 $0x40, s22;
	v8 =	vld [tilespmem:s20+$0xFFFFFFF0];
	s6 =	sadd.s32 $0x50, s22;
	s8 =	sadd.s32 $0x60, s22;
	v9 =	vadd.f32 v19, v9;
	v15 =	vmul.u32 v16, v15;
	v16 =	vmul.u32 v18, v20;
	[tilespmem:s1+$0x10] =	vst v11  }
0x1e8: {  	p1 =	slt.u32 s10, $0x1800;
	v11 =	vor.u32 s5, v1;
	v18 =	vld [tilespmem:s12+$0xFFFFFFDE];
	v19 =	vor.u32 s6, v1;
	s5 =	sadd.s32 $0x70, s22;
	v7 =	vmul.f32 v7, v3  }
0x1e9: {  	v20 =	vshrl.u32 v11, $0x1;
	v22 =	vld [tilespmem:s23+$0xFFFFFCC0];
	v11 =	vor.u32 s5, v1;
	v9 =	vsub.f32 v9, v21;
	[tilespmem:s0+$0x10] =	vst v13  }
0x1ea: {  	v21 =	vor.u32 s8, v1;
	v13 =	vld [tilespmem:s12+$0xFFFFFFD0];
	v23 =	vshrl.u32 v11, $0x1;
	v11 =	vcvt.s32.f32 v15  }
0x1eb: {  	v14 =	vmul.u32 v17, v14;
	v19 =	vshrl.u32 v19, $0x1;
	v24 =	vcvt.s32.f32 v20;
	v15 =	vld [tilespmem:s20+$0xFFFFFFE0]  }
0x1ec: {  	v17 =	vshrl.u32 v21, $0x1;
	v25 =	vcvt.s32.f32 v23;
	v21 =	vld [tilespmem:s12+$0xFFFFFFFE];
	v7 =	vmul.f32 v11, v7  }
0x1ed: {  	v27 =	vcvt.s32.f32 v17;
	v24 =	vadd.f32 $5.000000000e-01, v24;
	v11 =	vmul.f32 v11, v4;
	v4 =	vmovc v8;
	v26 =	vld [tilespmem:s23+$0xFFFFFCD0]  }
0x1ee: {  	v16 =	vcvt.s32.f32 v16;
	v28 =	vcvt.s32.f32 v19;
	v25 =	vadd.f32 $5.000000000e-01, v25;
	v8 =	vld [tilespmem:s23+$0xFFFFFFE0]  }
0x1ef: {  	v9 =	vmul.f32 v9, v3;
	v27 =	vadd.f32 $5.000000000e-01, v27;
	v24 =	vmul.f32 $2.499999940e-03, v24;
	v29 =	vld [tilespmem:s12+$0xFFFFFFE0];
	[tilespmem:s1+$0xFFFFFFF0] =	vst v11  }
0x1f0: {  	v14 =	vcvt.s32.f32 v14;
	v28 =	vadd.f32 $5.000000000e-01, v28;
	v25 =	vmul.f32 $2.499999940e-03, v25;
	v11 =	vld [tilespmem:s20+$0x10];
	[tilespmem:s0+$0xFFFFFFF0] =	vst v7  }
0x1f1: {  	v12 =	vmul.f32 v16, v12;
	v7 =	vtrunc.f32 v24;
	v24 =	vld [tilespmem:s23+$0xFFFFFFF0]  }
0x1f2: {  	v31 =	vmul.f32 v14, v9;
	v25 =	vtrunc.f32 v25;
	v30 =	vld [tilespmem:s12+$0xFFFFFFCE]  }
0x1f3: {  	v5 =	vmul.f32 v16, v5;
	v25 =	vcvt.f32.s32 v25;
	v8 =	vsub.f32 v8, v22;
	v22 =	vld [tilespmem:s23+$0xFFFFFCE0]  }
0x1f4: {  	v16 =	vcvt.f32.s32 v7;
	v7 =	vmul.f32 v4, v2;
	v9 =	vsub.f32 v29, v18;
	v18 =	vld [tilespmem:s23+$0x0]  }
0x1f5: {  	v28 =	vmul.f32 $2.499999940e-03, v28;
	v32 =	vmul.u32 $0xFFFFFE70, v25;
	v33 =	vsub.s32 $0xF9, v25;
	v29 =	vld [tilespmem:s12+$0x0];
	[tilespmem:s1+$0x0] =	vst v5  }
0x1f6: {  	vm0 =	vlt.s32 v25, $0x1;
	vm1 =	vlt.s32 v33, $0x1;
	v8 =	vadd.f32 v8, v9;
	[tilespmem:s0+$0x0] =	vst v12  }
0x1f7: {  	v5 =	vmul.f32 v14, v6;
	v6 =	vmovc v15;
	v12 =	vadd.s32 v23, v32;
	v23 =	vnsel vm1, $0x1, v33  }
0x1f8: {  	v9 =	vsub.f32 v13, v30;
	v13 =	vnsel vm0, $0x1, v25;
	vm0 =	vlt.s32 v12, $0x1  }
0x1f9: {  	v14 =	vmul.u32 $0xFFFFFE70, v16;
	v15 =	vtrunc.f32 v28;
	v24 =	vsub.f32 v24, v26;
	[tilespmem:s1+$0xFFFFFFE0] =	vst v5;
	s1 =	smov.u32 s11  }
0x1fa: {  	v15 =	vcvt.f32.s32 v15;
	v25 =	vsub.s32 $0xF9, v16;
	v21 =	vsub.f32 v29, v21;
	[tilespmem:s0+$0xFFFFFFE0] =	vst v31;
	s0 =	smov.u32 s14  }
0x1fb: {  	vm1 =	vlt.s32 v25, $0x1;
	v13 =	vmul.u32 v13, v23;
	v23 =	vmul.f32 v11, v2;
	v5 =	vld [tilespmem:s20+$0x0]  }
0x1fc: {  	v14 =	vadd.s32 v20, v14;
	v20 =	vnsel vm1, $0x1, v25;
	v25 =	vsub.s32 $0x18F, v12  }
0x1fd: {  	v27 =	vmul.f32 $2.499999940e-03, v27;
	v26 =	vmul.u32 $0xFFFFFE70, v15;
	vm1 =	vlt.s32 v14, $0x1  }
0x1fe: {  	v18 =	vsub.f32 v18, v22;
	v28 =	vnsel vm1, $0x1, v14;
	v29 =	vsub.s32 $0xF9, v15  }
0x1ff: {  	vm2 =	vlt.s32 v15, $0x1;
	vm1 =	vlt.s32 v16, $0x1;
	vm3 =	vlt.s32 v29, $0x1  }
0x200: {  	v27 =	vtrunc.f32 v27;
	v22 =	vnsel vm3, $0x1, v29;
	v29 =	vmul.f32 v5, v2  }
0x201: {  	v12 =	vnsel vm0, $0x1, v12;
	v19 =	vadd.s32 v19, v26;
	v26 =	vcvt.f32.s32 v27  }
0x202: {  	v15 =	vnsel vm2, $0x1, v15;
	v12 =	vmul.u32 v12, v13;
	v18 =	vadd.f32 v18, v21  }
0x203: {  	vm0 =	vlt.s32 v25, $0x1;
	v21 =	vmul.u32 $0xFFFFFE70, v26;
	v13 =	vmul.u32 v15, v22;
	v15 =	vld [tilespmem:s12+$0xFFFFFFEE]  }
0x204: {  	vm2 =	vlt.s32 v19, $0x1;
	v25 =	vnsel vm0, $0x1, v25;
	v22 =	vsub.s32 $0xF9, v26  }
0x205: {  	v27 =	vnsel vm2, $0x1, v19;
	vm0 =	vlt.s32 v26, $0x1;
	vm2 =	vlt.s32 v22, $0x1  }
0x206: {  	v30 =	vnsel vm1, $0x1, v16;
	v17 =	vadd.s32 v17, v21;
	v16 =	vsub.f32 v18, v23  }
0x207: {  	v12 =	vmul.u32 v25, v12;
	v18 =	vnsel vm2, $0x1, v22;
	v21 =	vsub.s32 $0x18F, v17  }
0x208: {  	v22 =	vnsel vm0, $0x1, v26;
	v23 =	vmul.f32 v16, v3;
	v10 =	vsub.f32 v10, v15  }
0x209: {  	v31 =	vcvt.s32.f32 v12;
	v26 =	vsub.s32 $0x18F, v14;
	v16 =	vsub.s32 $0x18F, v19;
	v25 =	vld [tilespmem:s23+$0xFFFFFCB0]  }
0x20a: {  	v12 =	vmul.u32 v30, v20;
	v15 =	vmul.u32 v27, v13;
	v19 =	vld [tilespmem:s23+$0xFFFFFFD0];
	v10 =	vadd.f32 v24, v10  }
.Ltmp8:
0x20b: {  	vm1 =	vlt.s32 v26, $0x1;
	v20 =	vmul.u32 v22, v18;
	vm2 =	vlt.s32 v21, $0x1;
	(pc) =	sbr.rel @p1 .LBB2_5-.Ltmp8, $4  }
0x20c: {  	vm3 =	vlt.s32 v17, $0x1;
	vm0 =	vlt.s32 v16, $0x1;
	v10 =	vsub.f32 v10, v29  }
0x20d: {  	v22 =	vnsel vm3, $0x1, v17;
	v18 =	vnsel vm2, $0x1, v21;
	v13 =	vmul.f32 v31, v23  }
0x20e: {  	s11 =	sadd.s32 $0x40, s11;
	v14 =	vmul.u32 v28, v12;
	v17 =	vnsel vm1, $0x1, v26;
	v12 =	vmul.f32 v10, v3  }
0x20f: {  	s14 =	sadd.s32 $0x40, s14;
	s20 =	sadd.s32 $0x40, s20;
	v11 =	vmul.f32 v31, v11;
	v20 =	vmul.u32 v22, v20;
	s12 =	sadd.s32 $0x40, s12;
	v19 =	vsub.f32 v19, v25  }
0x210: {  	v10 =	vnsel vm0, $0x1, v16  }
0x211: {  	v10 =	vmul.u32 v10, v15  }
0x212: {  	v60 =	vmul.u32 v18, v20  }
0x213: {  	v7 =	vsub.f32 v8, v7;
	v10 =	vcvt.s32.f32 v10  }
0x214: {  	v61 =	vmul.f32 v6, v2;
	v9 =	vadd.f32 v19, v9;
	v8 =	vcvt.s32.f32 v60  }
0x215: {  	v62 =	vmul.u32 v17, v14;
	[tilespmem:s1+$0x10] =	vst v11;
	v7 =	vmul.f32 v7, v3;
	v4 =	vmul.f32 v10, v4  }
0x216: {  	[tilespmem:s0+$0x10] =	vst v13;
	v9 =	vsub.f32 v9, v61;
	v5 =	vmul.f32 v8, v5  }
0x217: {  	v7 =	vmul.f32 v10, v7;
	[tilespmem:s1+$0xFFFFFFF0] =	vst v4;
	v4 =	vcvt.s32.f32 v62  }
0x218: {  	v9 =	vmul.f32 v9, v3;
	v63 =	vmul.f32 v8, v12;
	[tilespmem:s1+$0x0] =	vst v5  }
0x219: {  	[tilespmem:s0+$0xFFFFFFF0] =	vst v7;
	v5 =	vmul.f32 v4, v6  }
0x21a: {  	[tilespmem:s0+$0x0] =	vst v63;
	v4 =	vmul.f32 v4, v9  }
0x21b: {  	[tilespmem:s1+$0xFFFFFFE0] =	vst v5  }
0x21c: {  	[tilespmem:s0+$0xFFFFFFE0] =	vst v4  }
0x21d: {  	s0 =	rddreg [dreg:$0xd]  }
.LBB2_7:
0x21e: {  	s1 =	sadd.s32 s28, s19  }
0x21f: {  	s1 =	sadd.s32 $0xFFFFE7D0, s1  }
0x220: {  	v4 =	vor.u32 s1, v1  }
0x221: {  	v4 =	vshrl.u32 v4, $0x1  }
0x222: {  	v5 =	vcvt.s32.f32 v4;
	_ =	sdelay $0x1  }
0x223: {  	v5 =	vadd.f32 $5.000000000e-01, v5;
	_ =	sdelay $0x1  }
0x224: {  	v5 =	vmul.f32 $2.499999940e-03, v5  }
0x225: {  	v6 =	vld [tilespmem:s26+$0x0]  }
0x226: {  	v7 =	vld [tilespmem:s26+$0xFFFFFFFE];
	v5 =	vtrunc.f32 v5  }
0x227: {  	v8 =	vld [tilespmem:s25+$0x0];
	v5 =	vcvt.f32.s32 v5  }
0x228: {  	v9 =	vld [tilespmem:s25+$0xFFFFFCE0]  }
0x229: {  	v10 =	vmul.u32 $0xFFFFFE70, v5;
	v11 =	vsub.s32 $0xF9, v5  }
0x22a: {  	v12 =	vld [tilespmem:s0+$0x0];
	vm0 =	vlt.s32 v5, $0x1;
	vm1 =	vlt.s32 v11, $0x1  }
0x22b: {  	v5 =	vnsel vm0, $0x1, v5;
	v4 =	vadd.s32 v4, v10;
	v59 =	vnsel vm1, $0x1, v11  }
0x22c: {  	v6 =	vsub.f32 v6, v7;
	v5 =	vmul.u32 v5, v59;
	vm14 =	vlt.s32 v4, $0x1  }
0x22d: {  	v60 =	vsub.f32 v8, v9;
	v61 =	vnsel vm14, $0x1, v4;
	v4 =	vsub.s32 $0x18F, v4  }
0x22e: {  	v5 =	vmul.u32 v61, v5;
	vm15 =	vlt.s32 v4, $0x1  }
0x22f: {  	v62 =	vmul.f32 v12, v2;
	v6 =	vadd.f32 v60, v6;
	v4 =	vnsel vm15, $0x1, v4  }
0x230: {  	v4 =	vmul.u32 v4, v5  }
0x231: {  	s28 =	sadd.s32 $0x10, s28;
	v5 =	vsub.f32 v6, v62  }
0x232: {  	p1 =	slt.u32 s28, $0x1860;
	v4 =	vcvt.s32.f32 v4  }
.Ltmp9:
0x233: {  	v5 =	vmul.f32 v5, v3;
	(pc) =	sbr.rel @p1 .LBB2_7-.Ltmp9, $4  }
0x234: {  	v63 =	vmul.f32 v4, v12  }
0x235: {  	v4 =	vmul.f32 v4, v5  }
0x236: {  	s0 =	sadd.s32 $0x10, s0;
	s25 =	sadd.s32 $0x10, s25;
	[tilespmem:s24+$0x0] =	vst v63  }
0x237: {  	s26 =	sadd.s32 $0x10, s26;
	s24 =	sadd.s32 $0x10, s24;
	[tilespmem:s29+$0x0] =	vst v4;
	s29 =	sadd.s32 $0x10, s29  }
0x238: {  	s0 =	rddreg [dreg:$0x9];
	s1 =	simm.s32 $0x3E80  }
0x239: {  	[hbm4b:s0+s4] =	stream.linear.scatter [tilespmem:s1], [sflag:$0x3], $0x1870, $0x38;
	[tilespmem:$0xA800] =	vst v63  }
0x23a: {  	_ =	swait.ge [sflag:s30], $0x1870  }
0x23b: {  	s29 =	simm.s32 $0x5700;
	[sflag:s30] =	ssyncset.done $0x0  }
.Ltmp10:
0x23c: {  	s28 =	rddreg [dreg:$0xa];
	[sflag:s30] =	ssyncadd.s32 $0xFFFFE790;
	(pc) =	sbr.rel .LBB2_16-.Ltmp10, $4  }
0x23d: {  	[hbm4b:s28+s4] =	stream.linear.scatter [tilespmem:s29], [sflag:$0x3], $0x1870, $0x38;
	[tilespmem:$0xA800] =	vst v63  }
0x23e: {  	_ =	swait.ge [sflag:s30], $0x1870  }
0x23f: {  	[sflag:s30] =	ssyncset.done $0x0  }
0x240: {  	[sflag:s30] =	ssyncadd.s32 $0xFFFFE790  }
.LBB2_17:
0x241: {  	_ =	sfence.sel $0x180000  }
0x242: {  	[bflag:$0x0] =	sbarrier.arrive $0xFFFF  }
0x243: {  	_ =	strace $0x90000047  }
0x244: {  	s0 =	stileid.u32;
	[bflag:$0x2] =	sbarrier.arrive $0xFFFF  }
0x245: {  	p0 =	sne.s32 s0, $0x0;
	s0 =	rddreg [dreg:$0x5]  }
0x246: {  	s0 =	sadd.s32 @!p0 $0x100000, s0  }
0x247: {  	[sflag:s0] =	ssyncadd.tile.s32 @!p0 $0x1;
	_ =	shalt  }
.Lfunc_end2:
_tile_overlayer_lowered:
.L_overlay_start_2:
0x248: {  	(tag) =	ssettag $0x2  }
0x249: {  	s0 =	rddreg [dreg:$0x0];
	s2 =	stileid.u32  }
0x24a: {  	s1 =	rddreg [dreg:$0x1];
	p0 =	sne.s32 s2, $0x0  }
0x24b: {  	s3 =	rddreg [dreg:$0x2];
	[bflag:$0x3] =	sbarrier.arrive $0xFFFF;
	s2 =	simm.s32 @!p0 $0x1C03  }
0x24c: {  	[timem:s3], [sflag:s2] =	dma.local @!p0 [hbm:s0], s1  }
0x24d: {  	s0 =	simm.s32 @!p0 $0x3  }
0x24e: {  	_ =	swait.ge @!p0 [sflag:s0], s1  }
0x24f: {  	s1 =	ssub.s32 @!p0 $0x0, s1;
	[sflag:s0] =	ssyncset.done @!p0 $0x0  }
0x250: {  	[sflag:s0] =	ssyncadd.s32 @!p0 s1  }
0x251: {  	[bflag:$0x3] =	sbarrier.arrive $0xFFFF  }
0x252: {  	_ =	shalt  }

</sc_bundles>
